<compile_context>
chip_gen: v7x
topology: tpu7x:2x2x1
jax: 0.10.2.dev20260603
libtpu: 0.0.44.dev20260713+nightly
codegen_flags: <defaults>
</compile_context>

<pallas_src>
import functools

import jax
import jax.numpy as jnp
from jax import lax
from jax.experimental import pallas as pl
from jax.experimental.pallas import tpu as pltpu
from jax.experimental.pallas import tpu_sc as plsc

NV = 2
NN = 10000
EE = 320000
FT = 128
FH = 64
NPAD = 10112
NC = 2
NS = 16
ROWS_PER_TILE = NPAD // NS
E_PER_TILE = EE // NS
CHUNK = 80
NCHUNK = E_PER_TILE // CHUNK
NGRP = 10
GRP = NCHUNK // NGRP
DEG_R0 = NN
DROWS = 80


def _sc_segment_sum(xflat, src_r, dst_r):
  mesh = plsc.VectorSubcoreMesh(
      core_axis_name="c", subcore_axis_name="s", num_cores=NC,
      num_subcores=NS)

  @functools.partial(
      pl.kernel,
      out_type=jax.ShapeDtypeStruct((NV, NPAD, FT), jnp.float32),
      mesh=mesh,
      scratch_types=[
          pltpu.VMEM_SHARED((NPAD, FT), jnp.float32),
          pltpu.VMEM((CHUNK, FT), jnp.float32),
          pltpu.VMEM((CHUNK, FT), jnp.float32),
          pltpu.VMEM((CHUNK, FT), jnp.float32),
          pltpu.VMEM((GRP, CHUNK), jnp.int32),
          pltpu.VMEM((GRP, CHUNK), jnp.int32),
          pltpu.VMEM((DROWS, 128), jnp.float32),
          pltpu.SemaphoreType.DMA,
          pltpu.SemaphoreType.DMA,
          pltpu.SemaphoreType.DMA,
          pltpu.SemaphoreType.DMA,
          pltpu.SemaphoreType.DMA,
          pltpu.SemaphoreType.DMA,
      ],
      compiler_params=pltpu.CompilerParams(needs_layout_passes=False),
  )
  def k(x_hbm, src_hbm, dst_hbm, agg_out,
        agg_s, rows0, rows1, rows2, srcbuf, dstbuf, degloc,
        gsem0, gsem1, gsem2, ssem0, ssem1, ssem2):
    c = lax.axis_index("c")
    s = lax.axis_index("s")
    zeros16 = jnp.zeros((16,), jnp.float32)
    ones16 = jnp.full((16,), 1.0, jnp.float32)

    def zr(r, carry):
      def zc(j, c2):
        sl = pl.ds(j * 16, 16)
        rows0[r, sl] = zeros16
        degloc[r, sl] = zeros16
        return c2
      lax.fori_loop(0, FT // 16, zc, 0)
      return carry
    lax.fori_loop(0, CHUNK, zr, 0)

    base = s * ROWS_PER_TILE
    def za(t, carry):
      pltpu.sync_copy(rows0, agg_s.at[pl.ds(base + t * CHUNK, CHUNK)])
      return carry
    lax.fori_loop(0, 7, za, 0)
    pltpu.sync_copy(rows0.at[pl.ds(0, 72)],
                    agg_s.at[pl.ds(base + 7 * CHUNK, 72)])

    plsc.subcore_barrier()

    def hist(kk):
      for j in range(CHUNK // 16):
        idx16 = dstbuf[kk, pl.ds(j * 16, 16)]
        row16 = lax.shift_right_logical(idx16, 7)
        col16 = lax.bitwise_and(idx16, 127)
        plsc.addupdate_scatter(degloc, [row16, col16], ones16)

    def gather(kk, rows, gsem):
      pltpu.async_copy(x_hbm.at[srcbuf.at[kk]], rows, gsem)

    def wait_gather(kk, rows, gsem):
      pltpu.make_async_copy(x_hbm.at[srcbuf.at[kk]], rows, gsem).wait()

    def scatter(kk, rows, ssem):
      pltpu.async_copy(rows, agg_s.at[dstbuf.at[kk]], ssem, add=True)

    def wait_scatter(kk, rows, ssem):
      pltpu.make_async_copy(rows, agg_s.at[dstbuf.at[kk]], ssem).wait()

    def grp(g, carry):
      pltpu.sync_copy(src_hbm.at[c, s, g], srcbuf)
      pltpu.sync_copy(dst_hbm.at[c, s, g], dstbuf)
      gather(0, rows0, gsem0)
      gather(1, rows1, gsem1)
      gather(2, rows2, gsem2)

      def tri(t, c2):
        k0 = 3 * t
        wait_gather(k0, rows0, gsem0)
        scatter(k0, rows0, ssem0)
        hist(k0)
        wait_gather(k0 + 1, rows1, gsem1)
        scatter(k0 + 1, rows1, ssem1)
        hist(k0 + 1)
        wait_gather(k0 + 2, rows2, gsem2)
        scatter(k0 + 2, rows2, ssem2)
        hist(k0 + 2)
        wait_scatter(k0, rows0, ssem0)
        gather(k0 + 3, rows0, gsem0)
        wait_scatter(k0 + 1, rows1, ssem1)
        gather(k0 + 4, rows1, gsem1)
        wait_scatter(k0 + 2, rows2, ssem2)
        gather(k0 + 5, rows2, gsem2)
        return c2
      lax.fori_loop(0, 7, tri, 0)

      wait_gather(21, rows0, gsem0)
      scatter(21, rows0, ssem0)
      hist(21)
      wait_gather(22, rows1, gsem1)
      scatter(22, rows1, ssem1)
      hist(22)
      wait_gather(23, rows2, gsem2)
      scatter(23, rows2, ssem2)
      hist(23)
      wait_scatter(21, rows0, ssem0)
      gather(24, rows0, gsem0)
      wait_gather(24, rows0, gsem0)
      scatter(24, rows0, ssem0)
      hist(24)
      wait_scatter(22, rows1, ssem1)
      wait_scatter(23, rows2, ssem2)
      wait_scatter(24, rows0, ssem0)
      return carry
    lax.fori_loop(0, NGRP, grp, 0)

    def it(j, carry):
      dstbuf[0, pl.ds(j * 16, 16)] = (
          lax.broadcasted_iota(jnp.int32, (16,), 0) + (DEG_R0 + j * 16))
      return carry
    lax.fori_loop(0, DROWS // 16, it, 0)
    pltpu.sync_copy(degloc, agg_s.at[dstbuf.at[0]], add=True)
    plsc.subcore_barrier()

    pltpu.sync_copy(agg_s.at[pl.ds(base, ROWS_PER_TILE)],
                    agg_out.at[c, pl.ds(base, ROWS_PER_TILE)])

  return k(xflat, src_r, dst_r)


def _tc_body(agg_ref, deg_ref, wg, bg, wsp, bsp, w1, b1, w2, b2, wo, bo,
             z_out, r_out):
  a = agg_ref[0]
  d = deg_ref[0]
  h = a / jnp.maximum(d, 1.0)
  h = jnp.maximum(jnp.dot(h, wg[0], preferred_element_type=jnp.float32)
                  + bg[0], 0.0)
  z = jnp.dot(h, wsp[0], preferred_element_type=jnp.float32) + bsp[0]
  z_out[0] = z
  dd = jnp.maximum(jnp.dot(z, w1[0], preferred_element_type=jnp.float32)
                   + b1[0], 0.0)
  e = jnp.dot(dd, w2[0], preferred_element_type=jnp.float32) + b2[0]
  r = jnp.dot(jnp.maximum(e, 0.0), wo[0],
              preferred_element_type=jnp.float32) + bo[0]
  r_out[0] = r


def _tc_dense(agg, deg3, W_gcn, b_gcn, W_sp, b_sp, W_d1, b_d1, W_d2, b_d2,
              W_out, b_out):
  BN = NPAD // 8
  wspec = pl.BlockSpec((1, FT, FT), lambda v, b: (v, 0, 0))
  bspec = pl.BlockSpec((1, 1, FT), lambda v, b: (v, 0, 0))
  return pl.pallas_call(
      _tc_body,
      grid=(NV, 8),
      in_specs=[
          pl.BlockSpec((1, BN, FT), lambda v, b: (v, b, 0)),
          pl.BlockSpec((1, BN, 1), lambda v, b: (v, b, 0)),
          wspec, bspec, wspec, bspec, wspec, bspec, wspec, bspec,
          wspec, bspec,
      ],
      out_specs=[
          pl.BlockSpec((1, BN, FT), lambda v, b: (v, b, 0)),
          pl.BlockSpec((1, BN, FT), lambda v, b: (v, b, 0)),
      ],
      out_shape=[
          jax.ShapeDtypeStruct((NV, NPAD, FT), jnp.float32),
          jax.ShapeDtypeStruct((NV, NPAD, FT), jnp.float32),
      ],
  )(agg, deg3, W_gcn, b_gcn, W_sp, b_sp, W_d1, b_d1, W_d2, b_d2, W_out,
    b_out)


def kernel(x, adj, W_gcn, b_gcn, W_s, b_s, W_p, b_p, W_d1, b_d1, W_d2, b_d2,
           W_out, b_out):
  xflat = x.reshape(NV * NN, FT)
  view_off = (jnp.arange(NV, dtype=jnp.int32) * NN)[:, None]
  src_r = (adj[:, 0, :] + view_off).reshape(NV, NS, NGRP, GRP, CHUNK)
  dst_r = adj[:, 1, :].reshape(NV, NS, NGRP, GRP, CHUNK)

  agg = _sc_segment_sum(xflat, src_r, dst_r)

  deg = agg[:, DEG_R0:DEG_R0 + DROWS, :].reshape(NV, DROWS * 128)
  deg3 = deg[:, :NPAD, None]

  W_sp = jnp.concatenate([W_s, W_p], axis=2)
  b_sp = jnp.concatenate([b_s, b_p], axis=1)
  z, r = _tc_dense(agg, deg3, W_gcn, b_gcn[:, None, :], W_sp,
                   b_sp[:, None, :], W_d1, b_d1[:, None, :], W_d2,
                   b_d2[:, None, :], W_out, b_out[:, None, :])
  commons = z[:, :NN, :64]
  privates = z[:, :NN, 64:]
  recons = r[:, :NN, :]
  return (commons, privates, recons)

# --- scband reference (transcript-rebuilt; emitter-appended) ---
"""Pipeline reference for scband-gnndae-6975026889101 (READ-ONLY COPY).

The authoritative reference and input builder live on the scoring server;
editing this copy changes nothing except your own understanding.
"""

import jax, jax.numpy as jnp
import numpy as np

NUM_VIEW = 2
N = 10000
E = 320000
FT = 128
HID = 128
CDIM = 64
PDIM = 64


def setup_inputs(seed: int = 0) -> dict:
    key = jax.random.key(seed)
    ks = jax.random.split(key, 16)
    x = jax.random.normal(ks[0], (NUM_VIEW, N, FT), dtype=jnp.float32)
    adj = jax.random.randint(ks[1], (NUM_VIEW, 2, E), 0, N, dtype=jnp.int32)
    s = 0.05
    W_gcn = jax.random.normal(ks[2], (NUM_VIEW, FT, HID), dtype=jnp.float32) * s
    b_gcn = jnp.zeros((NUM_VIEW, HID), dtype=jnp.float32)
    W_s = jax.random.normal(ks[3], (NUM_VIEW, HID, CDIM), dtype=jnp.float32) * s
    b_s = jnp.zeros((NUM_VIEW, CDIM), dtype=jnp.float32)
    W_p = jax.random.normal(ks[4], (NUM_VIEW, HID, PDIM), dtype=jnp.float32) * s
    b_p = jnp.zeros((NUM_VIEW, PDIM), dtype=jnp.float32)
    W_d1 = jax.random.normal(ks[5], (NUM_VIEW, CDIM + PDIM, HID), dtype=jnp.float32) * s
    b_d1 = jnp.zeros((NUM_VIEW, HID), dtype=jnp.float32)
    W_d2 = jax.random.normal(ks[6], (NUM_VIEW, HID, FT), dtype=jnp.float32) * s
    b_d2 = jnp.zeros((NUM_VIEW, FT), dtype=jnp.float32)
    W_out = jax.random.normal(ks[7], (NUM_VIEW, FT, FT), dtype=jnp.float32) * s
    b_out = jnp.zeros((NUM_VIEW, FT), dtype=jnp.float32)
    return {"x": x, "adj": adj, "W_gcn": W_gcn, "b_gcn": b_gcn, "W_s": W_s, "b_s": b_s,
            "W_p": W_p, "b_p": b_p, "W_d1": W_d1, "b_d1": b_d1, "W_d2": W_d2,
            "b_d2": b_d2, "W_out": W_out, "b_out": b_out}


def _gcn(xv, ei, W, b):
    src = ei[0]
    dst = ei[1]
    msg = jnp.take(xv, src, axis=0)
    agg = jax.ops.segment_sum(msg, dst, num_segments=N)
    deg = jax.ops.segment_sum(jnp.ones((E, 1), xv.dtype), dst, num_segments=N)
    h = agg / jnp.clip(deg, 1.0)
    return jax.nn.relu(h @ W + b)


def reference(x, adj, W_gcn, b_gcn, W_s, b_s, W_p, b_p, W_d1, b_d1, W_d2, b_d2, W_out, b_out):
    commons, privates, recons = [], [], []
    for i in range(NUM_VIEW):
        h = _gcn(x[i], adj[i], W_gcn[i], b_gcn[i])
        c = h @ W_s[i] + b_s[i]
        p = h @ W_p[i] + b_p[i]
        commons.append(c)
        privates.append(p)
        z = jnp.concatenate([c, p], axis=1)
        d = jax.nn.relu(z @ W_d1[i] + b_d1[i])
        d = d @ W_d2[i] + b_d2[i]
        r = jax.nn.relu(d) @ W_out[i] + b_out[i]
        recons.append(r)
    return (jnp.stack(commons), jnp.stack(privates), jnp.stack(recons))

if __name__ == "__main__":
    import jax
    _d = setup_inputs()
    print(jax.jit(kernel)(*tuple(_d.values())))

</pallas_src>

<mosaic_0001>
#map = affine_map<(d0, d1) -> (0, 0)>
#map1 = affine_map<(d0, d1) -> (0, 0, 0, 0, 0)>
#map2 = affine_map<(d0, d1) -> (0, 0, 0)>
module attributes {stable_mosaic.version = 14 : i64} {
  func.func @k(%arg0: i32, %arg1: i32, %arg2: memref<20000x128xf32, #tpu.memory_space<hbm>>, %arg3: memref<2x16x10x25x80xi32, #tpu.memory_space<hbm>>, %arg4: memref<2x16x10x25x80xi32, #tpu.memory_space<hbm>>, %arg5: memref<2x10112x128xf32, #tpu.memory_space<hbm>>, %arg6: memref<10112x128xf32, #tpu.memory_space<vmem_shared>>, %arg7: memref<80x128xf32, #tpu.memory_space<vmem>>, %arg8: memref<80x128xf32, #tpu.memory_space<vmem>>, %arg9: memref<80x128xf32, #tpu.memory_space<vmem>>, %arg10: memref<25x80xi32, #tpu.memory_space<vmem>>, %arg11: memref<25x80xi32, #tpu.memory_space<vmem>>, %arg12: memref<80x128xf32, #tpu.memory_space<vmem>>, %arg13: memref<!tpu.dma_semaphore, #tpu.memory_space<semaphore_mem>>, %arg14: memref<!tpu.dma_semaphore, #tpu.memory_space<semaphore_mem>>, %arg15: memref<!tpu.dma_semaphore, #tpu.memory_space<semaphore_mem>>, %arg16: memref<!tpu.dma_semaphore, #tpu.memory_space<semaphore_mem>>, %arg17: memref<!tpu.dma_semaphore, #tpu.memory_space<semaphore_mem>>, %arg18: memref<!tpu.dma_semaphore, #tpu.memory_space<semaphore_mem>>) attributes {dimension_semantics = [#tpu.dimension_semantics<core_parallel>, #tpu.dimension_semantics<subcore_parallel>], iteration_bounds = array<i64: 2, 16>, scalar_prefetch = 0 : i64, scratch_operands = 13 : i64, tpu.core_type = #tpu.core_type<sc_vector_subcore>, window_params = [{transform_indices = #map}, {transform_indices = #map1}, {transform_indices = #map1}, {transform_indices = #map2}]} {
    %broadcast_in_dim3A = arith.constant 0.000000e+00 : f32
    %broadcast_in_dim3A_0 = vector.broadcast %broadcast_in_dim3A : f32 to vector<16xf32>
    %broadcast_in_dim3A_1 = arith.constant 1.000000e+00 : f32
    %broadcast_in_dim3A_2 = vector.broadcast %broadcast_in_dim3A_1 : f32 to vector<16xf32>
    %scan3A = arith.constant 0 : i32
    %scan3A_3 = arith.constant 0 : i32
    %scan3A_4 = arith.constant 80 : i32
    %scan3A_5 = arith.addi %scan3A_3, %scan3A_4 : i32
    %scan3A_6 = arith.constant 1 : i32
    scf.for %scan3A_29 = %scan3A_3 to %scan3A_5 step %scan3A_6  : i32 {
      %scan3A_30 = arith.constant 0 : i32
      %scan3A_31 = arith.constant 0 : i32
      %scan3A_32 = arith.constant 8 : i32
      %scan3A_33 = arith.addi %scan3A_31, %scan3A_32 : i32
      %scan3A_34 = arith.constant 1 : i32
      scf.for %scan3A_36 = %scan3A_31 to %scan3A_33 step %scan3A_34  : i32 {
        %mul3A_37 = arith.constant 16 : i32
        %mul3A_38 = arith.muli %scan3A_36, %mul3A_37 : i32
        %swap3A = arith.index_cast %scan3A_29 : i32 to index
        %swap3A_39 = arith.index_cast %mul3A_38 : i32 to index
        %swap3A_40 = tpu.vector_load %arg7[%swap3A, %swap3A_39] {strides = array<i32>} : memref<80x128xf32, #tpu.memory_space<vmem>>, vector<16xf32>,
        tpu.vector_store %arg7[%swap3A, %swap3A_39], %broadcast_in_dim3A_0 {strides = array<i32>} : memref<80x128xf32, #tpu.memory_space<vmem>>, vector<16xf32>,
        %swap3A_41 = arith.index_cast %scan3A_29 : i32 to index
        %swap3A_42 = arith.index_cast %mul3A_38 : i32 to index
        %swap3A_43 = tpu.vector_load %arg12[%swap3A_41, %swap3A_42] {strides = array<i32>} : memref<80x128xf32, #tpu.memory_space<vmem>>, vector<16xf32>,
        tpu.vector_store %arg12[%swap3A_41, %swap3A_42], %broadcast_in_dim3A_0 {strides = array<i32>} : memref<80x128xf32, #tpu.memory_space<vmem>>, vector<16xf32>,
      }
      %scan3A_35 = arith.constant 8 : i32
    }
    %scan3A_7 = arith.constant 80 : i32
    %mul3A = arith.constant 632 : i32
    %mul3A_8 = arith.muli %arg1, %mul3A : i32
    %scan3A_9 = arith.constant 0 : i32
    %scan3A_10 = arith.constant 0 : i32
    %scan3A_11 = arith.constant 7 : i32
    %scan3A_12 = arith.addi %scan3A_10, %scan3A_11 : i32
    %scan3A_13 = arith.constant 1 : i32
    scf.for %scan3A_29 = %scan3A_10 to %scan3A_12 step %scan3A_13  : i32 {
      %mul3A_30 = arith.constant 80 : i32
      %mul3A_31 = arith.muli %scan3A_29, %mul3A_30 : i32
      %add3A_32 = arith.addi %mul3A_8, %mul3A_31 : i32
      "tpu.region"() ({
        %run_scoped3A_33 = tpu.sem_alloc : memref<!tpu.dma_semaphore, #tpu.memory_space<semaphore_mem>>
        %dma_start3A = arith.constant 0 : i32
        %dma_start3A_34 = tpu.memref_slice %arg6[%add3A_32, %dma_start3A] : memref<10112x128xf32, #tpu.memory_space<vmem_shared>> -> memref<80x128xf32, #tpu.memory_space<vmem_shared>>
        %dma_start3A_35 = arith.constant 0 : i32
        %dma_start3A_36 = tpu.memref_slice %arg6[%add3A_32, %dma_start3A_35] : memref<10112x128xf32, #tpu.memory_space<vmem_shared>> -> memref<80x128xf32, #tpu.memory_space<vmem_shared>>
        tpu.enqueue_dma source(%arg7 : memref<80x128xf32, #tpu.memory_space<vmem>>) target(%dma_start3A_36 : memref<80x128xf32, #tpu.memory_space<vmem_shared>>) target_semaphore(%run_scoped3A_33 : memref<!tpu.dma_semaphore, #tpu.memory_space<semaphore_mem>>)
        %dma_wait3A = arith.constant 0 : i32
        %dma_wait3A_37 = tpu.memref_slice %arg6[%add3A_32, %dma_wait3A] : memref<10112x128xf32, #tpu.memory_space<vmem_shared>> -> memref<80x128xf32, #tpu.memory_space<vmem_shared>>
        %dma_wait3A_38 = arith.constant 0 : i32
        %dma_wait3A_39 = tpu.memref_slice %arg6[%add3A_32, %dma_wait3A_38] : memref<10112x128xf32, #tpu.memory_space<vmem_shared>> -> memref<80x128xf32, #tpu.memory_space<vmem_shared>>
        tpu.wait_dma2 semaphore(%run_scoped3A_33 : memref<!tpu.dma_semaphore, #tpu.memory_space<semaphore_mem>>) src(%arg7 : memref<80x128xf32, #tpu.memory_space<vmem>>) dst(%dma_wait3A_39 : memref<80x128xf32, #tpu.memory_space<vmem_shared>>)
        tpu.yield
      }) : () -> ()
    }
    %scan3A_14 = arith.constant 7 : i32
    %add3A = arith.constant 560 : i32
    %add3A_15 = arith.addi %mul3A_8, %add3A : i32
    "tpu.region"() ({
      %run_scoped3A_29 = tpu.sem_alloc : memref<!tpu.dma_semaphore, #tpu.memory_space<semaphore_mem>>
      %dma_start3A = arith.constant 0 : i32
      %dma_start3A_30 = arith.constant 0 : i32
      %dma_start3A_31 = tpu.memref_slice %arg7[%dma_start3A, %dma_start3A_30] : memref<80x128xf32, #tpu.memory_space<vmem>> -> memref<72x128xf32, #tpu.memory_space<vmem>>
      %dma_start3A_32 = arith.constant 0 : i32
      %dma_start3A_33 = tpu.memref_slice %arg6[%add3A_15, %dma_start3A_32] : memref<10112x128xf32, #tpu.memory_space<vmem_shared>> -> memref<72x128xf32, #tpu.memory_space<vmem_shared>>
      %dma_start3A_34 = arith.constant 0 : i32
      %dma_start3A_35 = tpu.memref_slice %arg6[%add3A_15, %dma_start3A_34] : memref<10112x128xf32, #tpu.memory_space<vmem_shared>> -> memref<72x128xf32, #tpu.memory_space<vmem_shared>>
      %dma_start3A_36 = arith.constant 0 : i32
      %dma_start3A_37 = arith.constant 0 : i32
      %dma_start3A_38 = tpu.memref_slice %arg7[%dma_start3A_36, %dma_start3A_37] : memref<80x128xf32, #tpu.memory_space<vmem>> -> memref<72x128xf32, #tpu.memory_space<vmem>>
      tpu.enqueue_dma source(%dma_start3A_38 : memref<72x128xf32, #tpu.memory_space<vmem>>) target(%dma_start3A_35 : memref<72x128xf32, #tpu.memory_space<vmem_shared>>) target_semaphore(%run_scoped3A_29 : memref<!tpu.dma_semaphore, #tpu.memory_space<semaphore_mem>>)
      %dma_wait3A = arith.constant 0 : i32
      %dma_wait3A_39 = arith.constant 0 : i32
      %dma_wait3A_40 = tpu.memref_slice %arg7[%dma_wait3A, %dma_wait3A_39] : memref<80x128xf32, #tpu.memory_space<vmem>> -> memref<72x128xf32, #tpu.memory_space<vmem>>
      %dma_wait3A_41 = arith.constant 0 : i32
      %dma_wait3A_42 = tpu.memref_slice %arg6[%add3A_15, %dma_wait3A_41] : memref<10112x128xf32, #tpu.memory_space<vmem_shared>> -> memref<72x128xf32, #tpu.memory_space<vmem_shared>>
      %dma_wait3A_43 = arith.constant 0 : i32
      %dma_wait3A_44 = tpu.memref_slice %arg6[%add3A_15, %dma_wait3A_43] : memref<10112x128xf32, #tpu.memory_space<vmem_shared>> -> memref<72x128xf32, #tpu.memory_space<vmem_shared>>
      %dma_wait3A_45 = arith.constant 0 : i32
      %dma_wait3A_46 = arith.constant 0 : i32
      %dma_wait3A_47 = tpu.memref_slice %arg7[%dma_wait3A_45, %dma_wait3A_46] : memref<80x128xf32, #tpu.memory_space<vmem>> -> memref<72x128xf32, #tpu.memory_space<vmem>>
      tpu.wait_dma2 semaphore(%run_scoped3A_29 : memref<!tpu.dma_semaphore, #tpu.memory_space<semaphore_mem>>) src(%dma_wait3A_47 : memref<72x128xf32, #tpu.memory_space<vmem>>) dst(%dma_wait3A_44 : memref<72x128xf32, #tpu.memory_space<vmem_shared>>)
      tpu.yield
    }) : () -> ()
    %barrier3A = arith.constant 0 : index
    tpu.barrier barrier_id(%barrier3A)
    %scan3A_16 = arith.constant 0 : i32
    %scan3A_17 = arith.constant 0 : i32
    %scan3A_18 = arith.constant 10 : i32
    %scan3A_19 = arith.addi %scan3A_17, %scan3A_18 : i32
    %scan3A_20 = arith.constant 1 : i32
    scf.for %scan3A_29 = %scan3A_17 to %scan3A_19 step %scan3A_20  : i32 {
      "tpu.region"() ({
        %run_scoped3A_343 = tpu.sem_alloc : memref<!tpu.dma_semaphore, #tpu.memory_space<semaphore_mem>>
        %dma_start3A_344 = arith.constant 0 : i32
        %dma_start3A_345 = arith.constant 0 : i32
        %dma_start3A_346 = tpu.memref_slice %arg3[%arg0, %arg1, %scan3A_29, %dma_start3A_344, %dma_start3A_345] : memref<2x16x10x25x80xi32, #tpu.memory_space<hbm>> -> memref<1x1x1x25x80xi32, #tpu.memory_space<hbm>>
        %dma_start3A_347 = tpu.memref_squeeze %dma_start3A_346 : memref<1x1x1x25x80xi32, #tpu.memory_space<hbm>> -> memref<25x80xi32, #tpu.memory_space<hbm>>
        %dma_start3A_348 = arith.constant 0 : i32
        %dma_start3A_349 = arith.constant 0 : i32
        %dma_start3A_350 = tpu.memref_slice %arg3[%arg0, %arg1, %scan3A_29, %dma_start3A_348, %dma_start3A_349] : memref<2x16x10x25x80xi32, #tpu.memory_space<hbm>> -> memref<1x1x1x25x80xi32, #tpu.memory_space<hbm>>
        %dma_start3A_351 = tpu.memref_squeeze %dma_start3A_350 : memref<1x1x1x25x80xi32, #tpu.memory_space<hbm>> -> memref<25x80xi32, #tpu.memory_space<hbm>>
        tpu.enqueue_dma source(%dma_start3A_351 : memref<25x80xi32, #tpu.memory_space<hbm>>) target(%arg10 : memref<25x80xi32, #tpu.memory_space<vmem>>) target_semaphore(%run_scoped3A_343 : memref<!tpu.dma_semaphore, #tpu.memory_space<semaphore_mem>>)
        %dma_wait3A_352 = arith.constant 0 : i32
        %dma_wait3A_353 = arith.constant 0 : i32
        %dma_wait3A_354 = tpu.memref_slice %arg3[%arg0, %arg1, %scan3A_29, %dma_wait3A_352, %dma_wait3A_353] : memref<2x16x10x25x80xi32, #tpu.memory_space<hbm>> -> memref<1x1x1x25x80xi32, #tpu.memory_space<hbm>>
        %dma_wait3A_355 = tpu.memref_squeeze %dma_wait3A_354 : memref<1x1x1x25x80xi32, #tpu.memory_space<hbm>> -> memref<25x80xi32, #tpu.memory_space<hbm>>
        %dma_wait3A_356 = arith.constant 0 : i32
        %dma_wait3A_357 = arith.constant 0 : i32
        %dma_wait3A_358 = tpu.memref_slice %arg3[%arg0, %arg1, %scan3A_29, %dma_wait3A_356, %dma_wait3A_357] : memref<2x16x10x25x80xi32, #tpu.memory_space<hbm>> -> memref<1x1x1x25x80xi32, #tpu.memory_space<hbm>>
        %dma_wait3A_359 = tpu.memref_squeeze %dma_wait3A_358 : memref<1x1x1x25x80xi32, #tpu.memory_space<hbm>> -> memref<25x80xi32, #tpu.memory_space<hbm>>
        tpu.wait_dma2 semaphore(%run_scoped3A_343 : memref<!tpu.dma_semaphore, #tpu.memory_space<semaphore_mem>>) src(%dma_wait3A_359 : memref<25x80xi32, #tpu.memory_space<hbm>>) dst(%arg10 : memref<25x80xi32, #tpu.memory_space<vmem>>)
        tpu.yield
      }) : () -> ()
      "tpu.region"() ({
        %run_scoped3A_343 = tpu.sem_alloc : memref<!tpu.dma_semaphore, #tpu.memory_space<semaphore_mem>>
        %dma_start3A_344 = arith.constant 0 : i32
        %dma_start3A_345 = arith.constant 0 : i32
        %dma_start3A_346 = tpu.memref_slice %arg4[%arg0, %arg1, %scan3A_29, %dma_start3A_344, %dma_start3A_345] : memref<2x16x10x25x80xi32, #tpu.memory_space<hbm>> -> memref<1x1x1x25x80xi32, #tpu.memory_space<hbm>>
        %dma_start3A_347 = tpu.memref_squeeze %dma_start3A_346 : memref<1x1x1x25x80xi32, #tpu.memory_space<hbm>> -> memref<25x80xi32, #tpu.memory_space<hbm>>
        %dma_start3A_348 = arith.constant 0 : i32
        %dma_start3A_349 = arith.constant 0 : i32
        %dma_start3A_350 = tpu.memref_slice %arg4[%arg0, %arg1, %scan3A_29, %dma_start3A_348, %dma_start3A_349] : memref<2x16x10x25x80xi32, #tpu.memory_space<hbm>> -> memref<1x1x1x25x80xi32, #tpu.memory_space<hbm>>
        %dma_start3A_351 = tpu.memref_squeeze %dma_start3A_350 : memref<1x1x1x25x80xi32, #tpu.memory_space<hbm>> -> memref<25x80xi32, #tpu.memory_space<hbm>>
        tpu.enqueue_dma source(%dma_start3A_351 : memref<25x80xi32, #tpu.memory_space<hbm>>) target(%arg11 : memref<25x80xi32, #tpu.memory_space<vmem>>) target_semaphore(%run_scoped3A_343 : memref<!tpu.dma_semaphore, #tpu.memory_space<semaphore_mem>>)
        %dma_wait3A_352 = arith.constant 0 : i32
        %dma_wait3A_353 = arith.constant 0 : i32
        %dma_wait3A_354 = tpu.memref_slice %arg4[%arg0, %arg1, %scan3A_29, %dma_wait3A_352, %dma_wait3A_353] : memref<2x16x10x25x80xi32, #tpu.memory_space<hbm>> -> memref<1x1x1x25x80xi32, #tpu.memory_space<hbm>>
        %dma_wait3A_355 = tpu.memref_squeeze %dma_wait3A_354 : memref<1x1x1x25x80xi32, #tpu.memory_space<hbm>> -> memref<25x80xi32, #tpu.memory_space<hbm>>
        %dma_wait3A_356 = arith.constant 0 : i32
        %dma_wait3A_357 = arith.constant 0 : i32
        %dma_wait3A_358 = tpu.memref_slice %arg4[%arg0, %arg1, %scan3A_29, %dma_wait3A_356, %dma_wait3A_357] : memref<2x16x10x25x80xi32, #tpu.memory_space<hbm>> -> memref<1x1x1x25x80xi32, #tpu.memory_space<hbm>>
        %dma_wait3A_359 = tpu.memref_squeeze %dma_wait3A_358 : memref<1x1x1x25x80xi32, #tpu.memory_space<hbm>> -> memref<25x80xi32, #tpu.memory_space<hbm>>
        tpu.wait_dma2 semaphore(%run_scoped3A_343 : memref<!tpu.dma_semaphore, #tpu.memory_space<semaphore_mem>>) src(%dma_wait3A_359 : memref<25x80xi32, #tpu.memory_space<hbm>>) dst(%arg11 : memref<25x80xi32, #tpu.memory_space<vmem>>)
        tpu.yield
      }) : () -> ()
      %dma_start3A = arith.constant 0 : i32
      %dma_start3A_30 = arith.constant 0 : i32
      %dma_start3A_31 = tpu.memref_slice %arg10[%dma_start3A, %dma_start3A_30] : memref<25x80xi32, #tpu.memory_space<vmem>> -> memref<1x80xi32, #tpu.memory_space<vmem>>
      %dma_start3A_32 = tpu.memref_squeeze %dma_start3A_31 : memref<1x80xi32, #tpu.memory_space<vmem>> -> memref<80xi32, #tpu.memory_space<vmem>>
      %dma_start3A_33 = arith.constant 0 : i32
      %dma_start3A_34 = arith.constant 0 : i32
      %dma_start3A_35 = tpu.memref_slice %arg2[%dma_start3A_33, %dma_start3A_34] : memref<20000x128xf32, #tpu.memory_space<hbm>> -> memref<20000x128xf32, #tpu.memory_space<hbm>>
      tpu.enqueue_indirect_dma source(%dma_start3A_35 : memref<20000x128xf32, #tpu.memory_space<hbm>>) target(%arg7 : memref<80x128xf32, #tpu.memory_space<vmem>>) offsets(%dma_start3A_32 : memref<80xi32, #tpu.memory_space<vmem>>) semaphore(%arg13 : memref<!tpu.dma_semaphore, #tpu.memory_space<semaphore_mem>>)
      %dma_start3A_36 = arith.constant 1 : i32
      %dma_start3A_37 = arith.constant 0 : i32
      %dma_start3A_38 = tpu.memref_slice %arg10[%dma_start3A_36, %dma_start3A_37] : memref<25x80xi32, #tpu.memory_space<vmem>> -> memref<1x80xi32, #tpu.memory_space<vmem>>
      %dma_start3A_39 = tpu.memref_squeeze %dma_start3A_38 : memref<1x80xi32, #tpu.memory_space<vmem>> -> memref<80xi32, #tpu.memory_space<vmem>>
      %dma_start3A_40 = arith.constant 0 : i32
      %dma_start3A_41 = arith.constant 0 : i32
      %dma_start3A_42 = tpu.memref_slice %arg2[%dma_start3A_40, %dma_start3A_41] : memref<20000x128xf32, #tpu.memory_space<hbm>> -> memref<20000x128xf32, #tpu.memory_space<hbm>>
      tpu.enqueue_indirect_dma source(%dma_start3A_42 : memref<20000x128xf32, #tpu.memory_space<hbm>>) target(%arg8 : memref<80x128xf32, #tpu.memory_space<vmem>>) offsets(%dma_start3A_39 : memref<80xi32, #tpu.memory_space<vmem>>) semaphore(%arg14 : memref<!tpu.dma_semaphore, #tpu.memory_space<semaphore_mem>>)
      %dma_start3A_43 = arith.constant 2 : i32
      %dma_start3A_44 = arith.constant 0 : i32
      %dma_start3A_45 = tpu.memref_slice %arg10[%dma_start3A_43, %dma_start3A_44] : memref<25x80xi32, #tpu.memory_space<vmem>> -> memref<1x80xi32, #tpu.memory_space<vmem>>
      %dma_start3A_46 = tpu.memref_squeeze %dma_start3A_45 : memref<1x80xi32, #tpu.memory_space<vmem>> -> memref<80xi32, #tpu.memory_space<vmem>>
      %dma_start3A_47 = arith.constant 0 : i32
      %dma_start3A_48 = arith.constant 0 : i32
      %dma_start3A_49 = tpu.memref_slice %arg2[%dma_start3A_47, %dma_start3A_48] : memref<20000x128xf32, #tpu.memory_space<hbm>> -> memref<20000x128xf32, #tpu.memory_space<hbm>>
      tpu.enqueue_indirect_dma source(%dma_start3A_49 : memref<20000x128xf32, #tpu.memory_space<hbm>>) target(%arg9 : memref<80x128xf32, #tpu.memory_space<vmem>>) offsets(%dma_start3A_46 : memref<80xi32, #tpu.memory_space<vmem>>) semaphore(%arg15 : memref<!tpu.dma_semaphore, #tpu.memory_space<semaphore_mem>>)
      %scan3A_50 = arith.constant 0 : i32
      %scan3A_51 = arith.constant 0 : i32
      %scan3A_52 = arith.constant 7 : i32
      %scan3A_53 = arith.addi %scan3A_51, %scan3A_52 : i32
      %scan3A_54 = arith.constant 1 : i32
      scf.for %scan3A_343 = %scan3A_51 to %scan3A_53 step %scan3A_54  : i32 {
        %mul3A_344 = arith.constant 3 : i32
        %mul3A_345 = arith.muli %mul3A_344, %scan3A_343 : i32
        %dma_wait3A_346 = arith.constant 0 : i32
        %dma_wait3A_347 = tpu.memref_slice %arg10[%mul3A_345, %dma_wait3A_346] : memref<25x80xi32, #tpu.memory_space<vmem>> -> memref<1x80xi32, #tpu.memory_space<vmem>>
        %dma_wait3A_348 = tpu.memref_squeeze %dma_wait3A_347 : memref<1x80xi32, #tpu.memory_space<vmem>> -> memref<80xi32, #tpu.memory_space<vmem>>
        %dma_wait3A_349 = arith.constant 0 : i32
        %dma_wait3A_350 = arith.constant 0 : i32
        %dma_wait3A_351 = tpu.memref_slice %arg2[%dma_wait3A_349, %dma_wait3A_350] : memref<20000x128xf32, #tpu.memory_space<hbm>> -> memref<20000x128xf32, #tpu.memory_space<hbm>>
        tpu.wait_indirect_dma semaphore(%arg13 : memref<!tpu.dma_semaphore, #tpu.memory_space<semaphore_mem>>) src(%dma_wait3A_351 : memref<20000x128xf32, #tpu.memory_space<hbm>>) dst(%arg7 : memref<80x128xf32, #tpu.memory_space<vmem>>)
        %dma_start3A_352 = arith.constant 0 : i32
        %dma_start3A_353 = tpu.memref_slice %arg11[%mul3A_345, %dma_start3A_352] : memref<25x80xi32, #tpu.memory_space<vmem>> -> memref<1x80xi32, #tpu.memory_space<vmem>>
        %dma_start3A_354 = tpu.memref_squeeze %dma_start3A_353 : memref<1x80xi32, #tpu.memory_space<vmem>> -> memref<80xi32, #tpu.memory_space<vmem>>
        %dma_start3A_355 = arith.constant 0 : i32
        %dma_start3A_356 = arith.constant 0 : i32
        %dma_start3A_357 = tpu.memref_slice %arg6[%dma_start3A_355, %dma_start3A_356] : memref<10112x128xf32, #tpu.memory_space<vmem_shared>> -> memref<10112x128xf32, #tpu.memory_space<vmem_shared>>
        tpu.enqueue_indirect_dma source(%arg7 : memref<80x128xf32, #tpu.memory_space<vmem>>) target(%dma_start3A_357 : memref<10112x128xf32, #tpu.memory_space<vmem_shared>>) offsets(%dma_start3A_354 : memref<80xi32, #tpu.memory_space<vmem>>) semaphore(%arg16 : memref<!tpu.dma_semaphore, #tpu.memory_space<semaphore_mem>>) {add = true}
        %get3A_358 = arith.index_cast %mul3A_345 : i32 to index
        %get3A_359 = arith.constant 0 : index
        %get3A_360 = tpu.vector_load %arg11[%get3A_358, %get3A_359] {strides = array<i32>} : memref<25x80xi32, #tpu.memory_space<vmem>>, vector<16xi32>,
        %shift_right_logical3A_361 = arith.constant 7 : i32
        %shift_right_logical3A_362 = vector.broadcast %shift_right_logical3A_361 : i32 to vector<16xi32>
        %shift_right_logical3A_363 = arith.shrui %get3A_360, %shift_right_logical3A_362 : vector<16xi32>
        %and3A_364 = arith.constant 127 : i32
        %and3A_365 = vector.broadcast %and3A_364 : i32 to vector<16xi32>
        %and3A_366 = arith.andi %get3A_360, %and3A_365 : vector<16xi32>
        tpu.vector_store_idx %arg12[%shift_right_logical3A_363, %and3A_366], %broadcast_in_dim3A_2 {add = true} : memref<80x128xf32, #tpu.memory_space<vmem>>[vector<16xi32>, vector<16xi32>], vector<16xf32>,
        %get3A_367 = arith.index_cast %mul3A_345 : i32 to index
        %get3A_368 = arith.constant 16 : index
        %get3A_369 = tpu.vector_load %arg11[%get3A_367, %get3A_368] {strides = array<i32>} : memref<25x80xi32, #tpu.memory_space<vmem>>, vector<16xi32>,
        %shift_right_logical3A_370 = arith.constant 7 : i32
        %shift_right_logical3A_371 = vector.broadcast %shift_right_logical3A_370 : i32 to vector<16xi32>
        %shift_right_logical3A_372 = arith.shrui %get3A_369, %shift_right_logical3A_371 : vector<16xi32>
        %and3A_373 = arith.constant 127 : i32
        %and3A_374 = vector.broadcast %and3A_373 : i32 to vector<16xi32>
        %and3A_375 = arith.andi %get3A_369, %and3A_374 : vector<16xi32>
        tpu.vector_store_idx %arg12[%shift_right_logical3A_372, %and3A_375], %broadcast_in_dim3A_2 {add = true} : memref<80x128xf32, #tpu.memory_space<vmem>>[vector<16xi32>, vector<16xi32>], vector<16xf32>,
        %get3A_376 = arith.index_cast %mul3A_345 : i32 to index
        %get3A_377 = arith.constant 32 : index
        %get3A_378 = tpu.vector_load %arg11[%get3A_376, %get3A_377] {strides = array<i32>} : memref<25x80xi32, #tpu.memory_space<vmem>>, vector<16xi32>,
        %shift_right_logical3A_379 = arith.constant 7 : i32
        %shift_right_logical3A_380 = vector.broadcast %shift_right_logical3A_379 : i32 to vector<16xi32>
        %shift_right_logical3A_381 = arith.shrui %get3A_378, %shift_right_logical3A_380 : vector<16xi32>
        %and3A_382 = arith.constant 127 : i32
        %and3A_383 = vector.broadcast %and3A_382 : i32 to vector<16xi32>
        %and3A_384 = arith.andi %get3A_378, %and3A_383 : vector<16xi32>
        tpu.vector_store_idx %arg12[%shift_right_logical3A_381, %and3A_384], %broadcast_in_dim3A_2 {add = true} : memref<80x128xf32, #tpu.memory_space<vmem>>[vector<16xi32>, vector<16xi32>], vector<16xf32>,
        %get3A_385 = arith.index_cast %mul3A_345 : i32 to index
        %get3A_386 = arith.constant 48 : index
        %get3A_387 = tpu.vector_load %arg11[%get3A_385, %get3A_386] {strides = array<i32>} : memref<25x80xi32, #tpu.memory_space<vmem>>, vector<16xi32>,
        %shift_right_logical3A_388 = arith.constant 7 : i32
        %shift_right_logical3A_389 = vector.broadcast %shift_right_logical3A_388 : i32 to vector<16xi32>
        %shift_right_logical3A_390 = arith.shrui %get3A_387, %shift_right_logical3A_389 : vector<16xi32>
        %and3A_391 = arith.constant 127 : i32
        %and3A_392 = vector.broadcast %and3A_391 : i32 to vector<16xi32>
        %and3A_393 = arith.andi %get3A_387, %and3A_392 : vector<16xi32>
        tpu.vector_store_idx %arg12[%shift_right_logical3A_390, %and3A_393], %broadcast_in_dim3A_2 {add = true} : memref<80x128xf32, #tpu.memory_space<vmem>>[vector<16xi32>, vector<16xi32>], vector<16xf32>,
        %get3A_394 = arith.index_cast %mul3A_345 : i32 to index
        %get3A_395 = arith.constant 64 : index
        %get3A_396 = tpu.vector_load %arg11[%get3A_394, %get3A_395] {strides = array<i32>} : memref<25x80xi32, #tpu.memory_space<vmem>>, vector<16xi32>,
        %shift_right_logical3A_397 = arith.constant 7 : i32
        %shift_right_logical3A_398 = vector.broadcast %shift_right_logical3A_397 : i32 to vector<16xi32>
        %shift_right_logical3A_399 = arith.shrui %get3A_396, %shift_right_logical3A_398 : vector<16xi32>
        %and3A_400 = arith.constant 127 : i32
        %and3A_401 = vector.broadcast %and3A_400 : i32 to vector<16xi32>
        %and3A_402 = arith.andi %get3A_396, %and3A_401 : vector<16xi32>
        tpu.vector_store_idx %arg12[%shift_right_logical3A_399, %and3A_402], %broadcast_in_dim3A_2 {add = true} : memref<80x128xf32, #tpu.memory_space<vmem>>[vector<16xi32>, vector<16xi32>], vector<16xf32>,
        %add3A_403 = arith.constant 1 : i32
        %add3A_404 = arith.addi %mul3A_345, %add3A_403 : i32
        %dma_wait3A_405 = arith.constant 0 : i32
        %dma_wait3A_406 = tpu.memref_slice %arg10[%add3A_404, %dma_wait3A_405] : memref<25x80xi32, #tpu.memory_space<vmem>> -> memref<1x80xi32, #tpu.memory_space<vmem>>
        %dma_wait3A_407 = tpu.memref_squeeze %dma_wait3A_406 : memref<1x80xi32, #tpu.memory_space<vmem>> -> memref<80xi32, #tpu.memory_space<vmem>>
        %dma_wait3A_408 = arith.constant 0 : i32
        %dma_wait3A_409 = arith.constant 0 : i32
        %dma_wait3A_410 = tpu.memref_slice %arg2[%dma_wait3A_408, %dma_wait3A_409] : memref<20000x128xf32, #tpu.memory_space<hbm>> -> memref<20000x128xf32, #tpu.memory_space<hbm>>
        tpu.wait_indirect_dma semaphore(%arg14 : memref<!tpu.dma_semaphore, #tpu.memory_space<semaphore_mem>>) src(%dma_wait3A_410 : memref<20000x128xf32, #tpu.memory_space<hbm>>) dst(%arg8 : memref<80x128xf32, #tpu.memory_space<vmem>>)
        %add3A_411 = arith.constant 1 : i32
        %add3A_412 = arith.addi %mul3A_345, %add3A_411 : i32
        %dma_start3A_413 = arith.constant 0 : i32
        %dma_start3A_414 = tpu.memref_slice %arg11[%add3A_412, %dma_start3A_413] : memref<25x80xi32, #tpu.memory_space<vmem>> -> memref<1x80xi32, #tpu.memory_space<vmem>>
        %dma_start3A_415 = tpu.memref_squeeze %dma_start3A_414 : memref<1x80xi32, #tpu.memory_space<vmem>> -> memref<80xi32, #tpu.memory_space<vmem>>
        %dma_start3A_416 = arith.constant 0 : i32
        %dma_start3A_417 = arith.constant 0 : i32
        %dma_start3A_418 = tpu.memref_slice %arg6[%dma_start3A_416, %dma_start3A_417] : memref<10112x128xf32, #tpu.memory_space<vmem_shared>> -> memref<10112x128xf32, #tpu.memory_space<vmem_shared>>
        tpu.enqueue_indirect_dma source(%arg8 : memref<80x128xf32, #tpu.memory_space<vmem>>) target(%dma_start3A_418 : memref<10112x128xf32, #tpu.memory_space<vmem_shared>>) offsets(%dma_start3A_415 : memref<80xi32, #tpu.memory_space<vmem>>) semaphore(%arg17 : memref<!tpu.dma_semaphore, #tpu.memory_space<semaphore_mem>>) {add = true}
        %add3A_419 = arith.constant 1 : i32
        %add3A_420 = arith.addi %mul3A_345, %add3A_419 : i32
        %get3A_421 = arith.index_cast %add3A_420 : i32 to index
        %get3A_422 = arith.constant 0 : index
        %get3A_423 = tpu.vector_load %arg11[%get3A_421, %get3A_422] {strides = array<i32>} : memref<25x80xi32, #tpu.memory_space<vmem>>, vector<16xi32>,
        %shift_right_logical3A_424 = arith.constant 7 : i32
        %shift_right_logical3A_425 = vector.broadcast %shift_right_logical3A_424 : i32 to vector<16xi32>
        %shift_right_logical3A_426 = arith.shrui %get3A_423, %shift_right_logical3A_425 : vector<16xi32>
        %and3A_427 = arith.constant 127 : i32
        %and3A_428 = vector.broadcast %and3A_427 : i32 to vector<16xi32>
        %and3A_429 = arith.andi %get3A_423, %and3A_428 : vector<16xi32>
        tpu.vector_store_idx %arg12[%shift_right_logical3A_426, %and3A_429], %broadcast_in_dim3A_2 {add = true} : memref<80x128xf32, #tpu.memory_space<vmem>>[vector<16xi32>, vector<16xi32>], vector<16xf32>,
        %get3A_430 = arith.index_cast %add3A_420 : i32 to index
        %get3A_431 = arith.constant 16 : index
        %get3A_432 = tpu.vector_load %arg11[%get3A_430, %get3A_431] {strides = array<i32>} : memref<25x80xi32, #tpu.memory_space<vmem>>, vector<16xi32>,
        %shift_right_logical3A_433 = arith.constant 7 : i32
        %shift_right_logical3A_434 = vector.broadcast %shift_right_logical3A_433 : i32 to vector<16xi32>
        %shift_right_logical3A_435 = arith.shrui %get3A_432, %shift_right_logical3A_434 : vector<16xi32>
        %and3A_436 = arith.constant 127 : i32
        %and3A_437 = vector.broadcast %and3A_436 : i32 to vector<16xi32>
        %and3A_438 = arith.andi %get3A_432, %and3A_437 : vector<16xi32>
        tpu.vector_store_idx %arg12[%shift_right_logical3A_435, %and3A_438], %broadcast_in_dim3A_2 {add = true} : memref<80x128xf32, #tpu.memory_space<vmem>>[vector<16xi32>, vector<16xi32>], vector<16xf32>,
        %get3A_439 = arith.index_cast %add3A_420 : i32 to index
        %get3A_440 = arith.constant 32 : index
        %get3A_441 = tpu.vector_load %arg11[%get3A_439, %get3A_440] {strides = array<i32>} : memref<25x80xi32, #tpu.memory_space<vmem>>, vector<16xi32>,
        %shift_right_logical3A_442 = arith.constant 7 : i32
        %shift_right_logical3A_443 = vector.broadcast %shift_right_logical3A_442 : i32 to vector<16xi32>
        %shift_right_logical3A_444 = arith.shrui %get3A_441, %shift_right_logical3A_443 : vector<16xi32>
        %and3A_445 = arith.constant 127 : i32
        %and3A_446 = vector.broadcast %and3A_445 : i32 to vector<16xi32>
        %and3A_447 = arith.andi %get3A_441, %and3A_446 : vector<16xi32>
        tpu.vector_store_idx %arg12[%shift_right_logical3A_444, %and3A_447], %broadcast_in_dim3A_2 {add = true} : memref<80x128xf32, #tpu.memory_space<vmem>>[vector<16xi32>, vector<16xi32>], vector<16xf32>,
        %get3A_448 = arith.index_cast %add3A_420 : i32 to index
        %get3A_449 = arith.constant 48 : index
        %get3A_450 = tpu.vector_load %arg11[%get3A_448, %get3A_449] {strides = array<i32>} : memref<25x80xi32, #tpu.memory_space<vmem>>, vector<16xi32>,
        %shift_right_logical3A_451 = arith.constant 7 : i32
        %shift_right_logical3A_452 = vector.broadcast %shift_right_logical3A_451 : i32 to vector<16xi32>
        %shift_right_logical3A_453 = arith.shrui %get3A_450, %shift_right_logical3A_452 : vector<16xi32>
        %and3A_454 = arith.constant 127 : i32
        %and3A_455 = vector.broadcast %and3A_454 : i32 to vector<16xi32>
        %and3A_456 = arith.andi %get3A_450, %and3A_455 : vector<16xi32>
        tpu.vector_store_idx %arg12[%shift_right_logical3A_453, %and3A_456], %broadcast_in_dim3A_2 {add = true} : memref<80x128xf32, #tpu.memory_space<vmem>>[vector<16xi32>, vector<16xi32>], vector<16xf32>,
        %get3A_457 = arith.index_cast %add3A_420 : i32 to index
        %get3A_458 = arith.constant 64 : index
        %get3A_459 = tpu.vector_load %arg11[%get3A_457, %get3A_458] {strides = array<i32>} : memref<25x80xi32, #tpu.memory_space<vmem>>, vector<16xi32>,
        %shift_right_logical3A_460 = arith.constant 7 : i32
        %shift_right_logical3A_461 = vector.broadcast %shift_right_logical3A_460 : i32 to vector<16xi32>
        %shift_right_logical3A_462 = arith.shrui %get3A_459, %shift_right_logical3A_461 : vector<16xi32>
        %and3A_463 = arith.constant 127 : i32
        %and3A_464 = vector.broadcast %and3A_463 : i32 to vector<16xi32>
        %and3A_465 = arith.andi %get3A_459, %and3A_464 : vector<16xi32>
        tpu.vector_store_idx %arg12[%shift_right_logical3A_462, %and3A_465], %broadcast_in_dim3A_2 {add = true} : memref<80x128xf32, #tpu.memory_space<vmem>>[vector<16xi32>, vector<16xi32>], vector<16xf32>,
        %add3A_466 = arith.constant 2 : i32
        %add3A_467 = arith.addi %mul3A_345, %add3A_466 : i32
        %dma_wait3A_468 = arith.constant 0 : i32
        %dma_wait3A_469 = tpu.memref_slice %arg10[%add3A_467, %dma_wait3A_468] : memref<25x80xi32, #tpu.memory_space<vmem>> -> memref<1x80xi32, #tpu.memory_space<vmem>>
        %dma_wait3A_470 = tpu.memref_squeeze %dma_wait3A_469 : memref<1x80xi32, #tpu.memory_space<vmem>> -> memref<80xi32, #tpu.memory_space<vmem>>
        %dma_wait3A_471 = arith.constant 0 : i32
        %dma_wait3A_472 = arith.constant 0 : i32
        %dma_wait3A_473 = tpu.memref_slice %arg2[%dma_wait3A_471, %dma_wait3A_472] : memref<20000x128xf32, #tpu.memory_space<hbm>> -> memref<20000x128xf32, #tpu.memory_space<hbm>>
        tpu.wait_indirect_dma semaphore(%arg15 : memref<!tpu.dma_semaphore, #tpu.memory_space<semaphore_mem>>) src(%dma_wait3A_473 : memref<20000x128xf32, #tpu.memory_space<hbm>>) dst(%arg9 : memref<80x128xf32, #tpu.memory_space<vmem>>)
        %add3A_474 = arith.constant 2 : i32
        %add3A_475 = arith.addi %mul3A_345, %add3A_474 : i32
        %dma_start3A_476 = arith.constant 0 : i32
        %dma_start3A_477 = tpu.memref_slice %arg11[%add3A_475, %dma_start3A_476] : memref<25x80xi32, #tpu.memory_space<vmem>> -> memref<1x80xi32, #tpu.memory_space<vmem>>
        %dma_start3A_478 = tpu.memref_squeeze %dma_start3A_477 : memref<1x80xi32, #tpu.memory_space<vmem>> -> memref<80xi32, #tpu.memory_space<vmem>>
        %dma_start3A_479 = arith.constant 0 : i32
        %dma_start3A_480 = arith.constant 0 : i32
        %dma_start3A_481 = tpu.memref_slice %arg6[%dma_start3A_479, %dma_start3A_480] : memref<10112x128xf32, #tpu.memory_space<vmem_shared>> -> memref<10112x128xf32, #tpu.memory_space<vmem_shared>>
        tpu.enqueue_indirect_dma source(%arg9 : memref<80x128xf32, #tpu.memory_space<vmem>>) target(%dma_start3A_481 : memref<10112x128xf32, #tpu.memory_space<vmem_shared>>) offsets(%dma_start3A_478 : memref<80xi32, #tpu.memory_space<vmem>>) semaphore(%arg18 : memref<!tpu.dma_semaphore, #tpu.memory_space<semaphore_mem>>) {add = true}
        %add3A_482 = arith.constant 2 : i32
        %add3A_483 = arith.addi %mul3A_345, %add3A_482 : i32
        %get3A_484 = arith.index_cast %add3A_483 : i32 to index
        %get3A_485 = arith.constant 0 : index
        %get3A_486 = tpu.vector_load %arg11[%get3A_484, %get3A_485] {strides = array<i32>} : memref<25x80xi32, #tpu.memory_space<vmem>>, vector<16xi32>,
        %shift_right_logical3A_487 = arith.constant 7 : i32
        %shift_right_logical3A_488 = vector.broadcast %shift_right_logical3A_487 : i32 to vector<16xi32>
        %shift_right_logical3A_489 = arith.shrui %get3A_486, %shift_right_logical3A_488 : vector<16xi32>
        %and3A_490 = arith.constant 127 : i32
        %and3A_491 = vector.broadcast %and3A_490 : i32 to vector<16xi32>
        %and3A_492 = arith.andi %get3A_486, %and3A_491 : vector<16xi32>
        tpu.vector_store_idx %arg12[%shift_right_logical3A_489, %and3A_492], %broadcast_in_dim3A_2 {add = true} : memref<80x128xf32, #tpu.memory_space<vmem>>[vector<16xi32>, vector<16xi32>], vector<16xf32>,
        %get3A_493 = arith.index_cast %add3A_483 : i32 to index
        %get3A_494 = arith.constant 16 : index
        %get3A_495 = tpu.vector_load %arg11[%get3A_493, %get3A_494] {strides = array<i32>} : memref<25x80xi32, #tpu.memory_space<vmem>>, vector<16xi32>,
        %shift_right_logical3A_496 = arith.constant 7 : i32
        %shift_right_logical3A_497 = vector.broadcast %shift_right_logical3A_496 : i32 to vector<16xi32>
        %shift_right_logical3A_498 = arith.shrui %get3A_495, %shift_right_logical3A_497 : vector<16xi32>
        %and3A_499 = arith.constant 127 : i32
        %and3A_500 = vector.broadcast %and3A_499 : i32 to vector<16xi32>
        %and3A_501 = arith.andi %get3A_495, %and3A_500 : vector<16xi32>
        tpu.vector_store_idx %arg12[%shift_right_logical3A_498, %and3A_501], %broadcast_in_dim3A_2 {add = true} : memref<80x128xf32, #tpu.memory_space<vmem>>[vector<16xi32>, vector<16xi32>], vector<16xf32>,
        %get3A_502 = arith.index_cast %add3A_483 : i32 to index
        %get3A_503 = arith.constant 32 : index
        %get3A_504 = tpu.vector_load %arg11[%get3A_502, %get3A_503] {strides = array<i32>} : memref<25x80xi32, #tpu.memory_space<vmem>>, vector<16xi32>,
        %shift_right_logical3A_505 = arith.constant 7 : i32
        %shift_right_logical3A_506 = vector.broadcast %shift_right_logical3A_505 : i32 to vector<16xi32>
        %shift_right_logical3A_507 = arith.shrui %get3A_504, %shift_right_logical3A_506 : vector<16xi32>
        %and3A_508 = arith.constant 127 : i32
        %and3A_509 = vector.broadcast %and3A_508 : i32 to vector<16xi32>
        %and3A_510 = arith.andi %get3A_504, %and3A_509 : vector<16xi32>
        tpu.vector_store_idx %arg12[%shift_right_logical3A_507, %and3A_510], %broadcast_in_dim3A_2 {add = true} : memref<80x128xf32, #tpu.memory_space<vmem>>[vector<16xi32>, vector<16xi32>], vector<16xf32>,
        %get3A_511 = arith.index_cast %add3A_483 : i32 to index
        %get3A_512 = arith.constant 48 : index
        %get3A_513 = tpu.vector_load %arg11[%get3A_511, %get3A_512] {strides = array<i32>} : memref<25x80xi32, #tpu.memory_space<vmem>>, vector<16xi32>,
        %shift_right_logical3A_514 = arith.constant 7 : i32
        %shift_right_logical3A_515 = vector.broadcast %shift_right_logical3A_514 : i32 to vector<16xi32>
        %shift_right_logical3A_516 = arith.shrui %get3A_513, %shift_right_logical3A_515 : vector<16xi32>
        %and3A_517 = arith.constant 127 : i32
        %and3A_518 = vector.broadcast %and3A_517 : i32 to vector<16xi32>
        %and3A_519 = arith.andi %get3A_513, %and3A_518 : vector<16xi32>
        tpu.vector_store_idx %arg12[%shift_right_logical3A_516, %and3A_519], %broadcast_in_dim3A_2 {add = true} : memref<80x128xf32, #tpu.memory_space<vmem>>[vector<16xi32>, vector<16xi32>], vector<16xf32>,
        %get3A_520 = arith.index_cast %add3A_483 : i32 to index
        %get3A_521 = arith.constant 64 : index
        %get3A_522 = tpu.vector_load %arg11[%get3A_520, %get3A_521] {strides = array<i32>} : memref<25x80xi32, #tpu.memory_space<vmem>>, vector<16xi32>,
        %shift_right_logical3A_523 = arith.constant 7 : i32
        %shift_right_logical3A_524 = vector.broadcast %shift_right_logical3A_523 : i32 to vector<16xi32>
        %shift_right_logical3A_525 = arith.shrui %get3A_522, %shift_right_logical3A_524 : vector<16xi32>
        %and3A_526 = arith.constant 127 : i32
        %and3A_527 = vector.broadcast %and3A_526 : i32 to vector<16xi32>
        %and3A_528 = arith.andi %get3A_522, %and3A_527 : vector<16xi32>
        tpu.vector_store_idx %arg12[%shift_right_logical3A_525, %and3A_528], %broadcast_in_dim3A_2 {add = true} : memref<80x128xf32, #tpu.memory_space<vmem>>[vector<16xi32>, vector<16xi32>], vector<16xf32>,
        %dma_wait3A_529 = arith.constant 0 : i32
        %dma_wait3A_530 = tpu.memref_slice %arg11[%mul3A_345, %dma_wait3A_529] : memref<25x80xi32, #tpu.memory_space<vmem>> -> memref<1x80xi32, #tpu.memory_space<vmem>>
        %dma_wait3A_531 = tpu.memref_squeeze %dma_wait3A_530 : memref<1x80xi32, #tpu.memory_space<vmem>> -> memref<80xi32, #tpu.memory_space<vmem>>
        %dma_wait3A_532 = arith.constant 0 : i32
        %dma_wait3A_533 = arith.constant 0 : i32
        %dma_wait3A_534 = tpu.memref_slice %arg6[%dma_wait3A_532, %dma_wait3A_533] : memref<10112x128xf32, #tpu.memory_space<vmem_shared>> -> memref<10112x128xf32, #tpu.memory_space<vmem_shared>>
        tpu.wait_indirect_dma semaphore(%arg16 : memref<!tpu.dma_semaphore, #tpu.memory_space<semaphore_mem>>) src(%arg7 : memref<80x128xf32, #tpu.memory_space<vmem>>) dst(%dma_wait3A_534 : memref<10112x128xf32, #tpu.memory_space<vmem_shared>>)
        %add3A_535 = arith.constant 3 : i32
        %add3A_536 = arith.addi %mul3A_345, %add3A_535 : i32
        %dma_start3A_537 = arith.constant 0 : i32
        %dma_start3A_538 = tpu.memref_slice %arg10[%add3A_536, %dma_start3A_537] : memref<25x80xi32, #tpu.memory_space<vmem>> -> memref<1x80xi32, #tpu.memory_space<vmem>>
        %dma_start3A_539 = tpu.memref_squeeze %dma_start3A_538 : memref<1x80xi32, #tpu.memory_space<vmem>> -> memref<80xi32, #tpu.memory_space<vmem>>
        %dma_start3A_540 = arith.constant 0 : i32
        %dma_start3A_541 = arith.constant 0 : i32
        %dma_start3A_542 = tpu.memref_slice %arg2[%dma_start3A_540, %dma_start3A_541] : memref<20000x128xf32, #tpu.memory_space<hbm>> -> memref<20000x128xf32, #tpu.memory_space<hbm>>
        tpu.enqueue_indirect_dma source(%dma_start3A_542 : memref<20000x128xf32, #tpu.memory_space<hbm>>) target(%arg7 : memref<80x128xf32, #tpu.memory_space<vmem>>) offsets(%dma_start3A_539 : memref<80xi32, #tpu.memory_space<vmem>>) semaphore(%arg13 : memref<!tpu.dma_semaphore, #tpu.memory_space<semaphore_mem>>)
        %add3A_543 = arith.constant 1 : i32
        %add3A_544 = arith.addi %mul3A_345, %add3A_543 : i32
        %dma_wait3A_545 = arith.constant 0 : i32
        %dma_wait3A_546 = tpu.memref_slice %arg11[%add3A_544, %dma_wait3A_545] : memref<25x80xi32, #tpu.memory_space<vmem>> -> memref<1x80xi32, #tpu.memory_space<vmem>>
        %dma_wait3A_547 = tpu.memref_squeeze %dma_wait3A_546 : memref<1x80xi32, #tpu.memory_space<vmem>> -> memref<80xi32, #tpu.memory_space<vmem>>
        %dma_wait3A_548 = arith.constant 0 : i32
        %dma_wait3A_549 = arith.constant 0 : i32
        %dma_wait3A_550 = tpu.memref_slice %arg6[%dma_wait3A_548, %dma_wait3A_549] : memref<10112x128xf32, #tpu.memory_space<vmem_shared>> -> memref<10112x128xf32, #tpu.memory_space<vmem_shared>>
        tpu.wait_indirect_dma semaphore(%arg17 : memref<!tpu.dma_semaphore, #tpu.memory_space<semaphore_mem>>) src(%arg8 : memref<80x128xf32, #tpu.memory_space<vmem>>) dst(%dma_wait3A_550 : memref<10112x128xf32, #tpu.memory_space<vmem_shared>>)
        %add3A_551 = arith.constant 4 : i32
        %add3A_552 = arith.addi %mul3A_345, %add3A_551 : i32
        %dma_start3A_553 = arith.constant 0 : i32
        %dma_start3A_554 = tpu.memref_slice %arg10[%add3A_552, %dma_start3A_553] : memref<25x80xi32, #tpu.memory_space<vmem>> -> memref<1x80xi32, #tpu.memory_space<vmem>>
        %dma_start3A_555 = tpu.memref_squeeze %dma_start3A_554 : memref<1x80xi32, #tpu.memory_space<vmem>> -> memref<80xi32, #tpu.memory_space<vmem>>
        %dma_start3A_556 = arith.constant 0 : i32
        %dma_start3A_557 = arith.constant 0 : i32
        %dma_start3A_558 = tpu.memref_slice %arg2[%dma_start3A_556, %dma_start3A_557] : memref<20000x128xf32, #tpu.memory_space<hbm>> -> memref<20000x128xf32, #tpu.memory_space<hbm>>
        tpu.enqueue_indirect_dma source(%dma_start3A_558 : memref<20000x128xf32, #tpu.memory_space<hbm>>) target(%arg8 : memref<80x128xf32, #tpu.memory_space<vmem>>) offsets(%dma_start3A_555 : memref<80xi32, #tpu.memory_space<vmem>>) semaphore(%arg14 : memref<!tpu.dma_semaphore, #tpu.memory_space<semaphore_mem>>)
        %add3A_559 = arith.constant 2 : i32
        %add3A_560 = arith.addi %mul3A_345, %add3A_559 : i32
        %dma_wait3A_561 = arith.constant 0 : i32
        %dma_wait3A_562 = tpu.memref_slice %arg11[%add3A_560, %dma_wait3A_561] : memref<25x80xi32, #tpu.memory_space<vmem>> -> memref<1x80xi32, #tpu.memory_space<vmem>>
        %dma_wait3A_563 = tpu.memref_squeeze %dma_wait3A_562 : memref<1x80xi32, #tpu.memory_space<vmem>> -> memref<80xi32, #tpu.memory_space<vmem>>
        %dma_wait3A_564 = arith.constant 0 : i32
        %dma_wait3A_565 = arith.constant 0 : i32
        %dma_wait3A_566 = tpu.memref_slice %arg6[%dma_wait3A_564, %dma_wait3A_565] : memref<10112x128xf32, #tpu.memory_space<vmem_shared>> -> memref<10112x128xf32, #tpu.memory_space<vmem_shared>>
        tpu.wait_indirect_dma semaphore(%arg18 : memref<!tpu.dma_semaphore, #tpu.memory_space<semaphore_mem>>) src(%arg9 : memref<80x128xf32, #tpu.memory_space<vmem>>) dst(%dma_wait3A_566 : memref<10112x128xf32, #tpu.memory_space<vmem_shared>>)
        %add3A_567 = arith.constant 5 : i32
        %add3A_568 = arith.addi %mul3A_345, %add3A_567 : i32
        %dma_start3A_569 = arith.constant 0 : i32
        %dma_start3A_570 = tpu.memref_slice %arg10[%add3A_568, %dma_start3A_569] : memref<25x80xi32, #tpu.memory_space<vmem>> -> memref<1x80xi32, #tpu.memory_space<vmem>>
        %dma_start3A_571 = tpu.memref_squeeze %dma_start3A_570 : memref<1x80xi32, #tpu.memory_space<vmem>> -> memref<80xi32, #tpu.memory_space<vmem>>
        %dma_start3A_572 = arith.constant 0 : i32
        %dma_start3A_573 = arith.constant 0 : i32
        %dma_start3A_574 = tpu.memref_slice %arg2[%dma_start3A_572, %dma_start3A_573] : memref<20000x128xf32, #tpu.memory_space<hbm>> -> memref<20000x128xf32, #tpu.memory_space<hbm>>
        tpu.enqueue_indirect_dma source(%dma_start3A_574 : memref<20000x128xf32, #tpu.memory_space<hbm>>) target(%arg9 : memref<80x128xf32, #tpu.memory_space<vmem>>) offsets(%dma_start3A_571 : memref<80xi32, #tpu.memory_space<vmem>>) semaphore(%arg15 : memref<!tpu.dma_semaphore, #tpu.memory_space<semaphore_mem>>)
      }
      %scan3A_55 = arith.constant 7 : i32
      %dma_wait3A = arith.constant 21 : i32
      %dma_wait3A_56 = arith.constant 0 : i32
      %dma_wait3A_57 = tpu.memref_slice %arg10[%dma_wait3A, %dma_wait3A_56] : memref<25x80xi32, #tpu.memory_space<vmem>> -> memref<1x80xi32, #tpu.memory_space<vmem>>
      %dma_wait3A_58 = tpu.memref_squeeze %dma_wait3A_57 : memref<1x80xi32, #tpu.memory_space<vmem>> -> memref<80xi32, #tpu.memory_space<vmem>>
      %dma_wait3A_59 = arith.constant 0 : i32
      %dma_wait3A_60 = arith.constant 0 : i32
      %dma_wait3A_61 = tpu.memref_slice %arg2[%dma_wait3A_59, %dma_wait3A_60] : memref<20000x128xf32, #tpu.memory_space<hbm>> -> memref<20000x128xf32, #tpu.memory_space<hbm>>
      tpu.wait_indirect_dma semaphore(%arg13 : memref<!tpu.dma_semaphore, #tpu.memory_space<semaphore_mem>>) src(%dma_wait3A_61 : memref<20000x128xf32, #tpu.memory_space<hbm>>) dst(%arg7 : memref<80x128xf32, #tpu.memory_space<vmem>>)
      %dma_start3A_62 = arith.constant 21 : i32
      %dma_start3A_63 = arith.constant 0 : i32
      %dma_start3A_64 = tpu.memref_slice %arg11[%dma_start3A_62, %dma_start3A_63] : memref<25x80xi32, #tpu.memory_space<vmem>> -> memref<1x80xi32, #tpu.memory_space<vmem>>
      %dma_start3A_65 = tpu.memref_squeeze %dma_start3A_64 : memref<1x80xi32, #tpu.memory_space<vmem>> -> memref<80xi32, #tpu.memory_space<vmem>>
      %dma_start3A_66 = arith.constant 0 : i32
      %dma_start3A_67 = arith.constant 0 : i32
      %dma_start3A_68 = tpu.memref_slice %arg6[%dma_start3A_66, %dma_start3A_67] : memref<10112x128xf32, #tpu.memory_space<vmem_shared>> -> memref<10112x128xf32, #tpu.memory_space<vmem_shared>>
      tpu.enqueue_indirect_dma source(%arg7 : memref<80x128xf32, #tpu.memory_space<vmem>>) target(%dma_start3A_68 : memref<10112x128xf32, #tpu.memory_space<vmem_shared>>) offsets(%dma_start3A_65 : memref<80xi32, #tpu.memory_space<vmem>>) semaphore(%arg16 : memref<!tpu.dma_semaphore, #tpu.memory_space<semaphore_mem>>) {add = true}
      %get3A = arith.constant 21 : i32
      %get3A_69 = arith.index_cast %get3A : i32 to index
      %get3A_70 = arith.constant 0 : index
      %get3A_71 = tpu.vector_load %arg11[%get3A_69, %get3A_70] {strides = array<i32>} : memref<25x80xi32, #tpu.memory_space<vmem>>, vector<16xi32>,
      %shift_right_logical3A = arith.constant 7 : i32
      %shift_right_logical3A_72 = vector.broadcast %shift_right_logical3A : i32 to vector<16xi32>
      %shift_right_logical3A_73 = arith.shrui %get3A_71, %shift_right_logical3A_72 : vector<16xi32>
      %and3A = arith.constant 127 : i32
      %and3A_74 = vector.broadcast %and3A : i32 to vector<16xi32>
      %and3A_75 = arith.andi %get3A_71, %and3A_74 : vector<16xi32>
      tpu.vector_store_idx %arg12[%shift_right_logical3A_73, %and3A_75], %broadcast_in_dim3A_2 {add = true} : memref<80x128xf32, #tpu.memory_space<vmem>>[vector<16xi32>, vector<16xi32>], vector<16xf32>,
      %get3A_76 = arith.constant 21 : i32
      %get3A_77 = arith.index_cast %get3A_76 : i32 to index
      %get3A_78 = arith.constant 16 : index
      %get3A_79 = tpu.vector_load %arg11[%get3A_77, %get3A_78] {strides = array<i32>} : memref<25x80xi32, #tpu.memory_space<vmem>>, vector<16xi32>,
      %shift_right_logical3A_80 = arith.constant 7 : i32
      %shift_right_logical3A_81 = vector.broadcast %shift_right_logical3A_80 : i32 to vector<16xi32>
      %shift_right_logical3A_82 = arith.shrui %get3A_79, %shift_right_logical3A_81 : vector<16xi32>
      %and3A_83 = arith.constant 127 : i32
      %and3A_84 = vector.broadcast %and3A_83 : i32 to vector<16xi32>
      %and3A_85 = arith.andi %get3A_79, %and3A_84 : vector<16xi32>
      tpu.vector_store_idx %arg12[%shift_right_logical3A_82, %and3A_85], %broadcast_in_dim3A_2 {add = true} : memref<80x128xf32, #tpu.memory_space<vmem>>[vector<16xi32>, vector<16xi32>], vector<16xf32>,
      %get3A_86 = arith.constant 21 : i32
      %get3A_87 = arith.index_cast %get3A_86 : i32 to index
      %get3A_88 = arith.constant 32 : index
      %get3A_89 = tpu.vector_load %arg11[%get3A_87, %get3A_88] {strides = array<i32>} : memref<25x80xi32, #tpu.memory_space<vmem>>, vector<16xi32>,
      %shift_right_logical3A_90 = arith.constant 7 : i32
      %shift_right_logical3A_91 = vector.broadcast %shift_right_logical3A_90 : i32 to vector<16xi32>
      %shift_right_logical3A_92 = arith.shrui %get3A_89, %shift_right_logical3A_91 : vector<16xi32>
      %and3A_93 = arith.constant 127 : i32
      %and3A_94 = vector.broadcast %and3A_93 : i32 to vector<16xi32>
      %and3A_95 = arith.andi %get3A_89, %and3A_94 : vector<16xi32>
      tpu.vector_store_idx %arg12[%shift_right_logical3A_92, %and3A_95], %broadcast_in_dim3A_2 {add = true} : memref<80x128xf32, #tpu.memory_space<vmem>>[vector<16xi32>, vector<16xi32>], vector<16xf32>,
      %get3A_96 = arith.constant 21 : i32
      %get3A_97 = arith.index_cast %get3A_96 : i32 to index
      %get3A_98 = arith.constant 48 : index
      %get3A_99 = tpu.vector_load %arg11[%get3A_97, %get3A_98] {strides = array<i32>} : memref<25x80xi32, #tpu.memory_space<vmem>>, vector<16xi32>,
      %shift_right_logical3A_100 = arith.constant 7 : i32
      %shift_right_logical3A_101 = vector.broadcast %shift_right_logical3A_100 : i32 to vector<16xi32>
      %shift_right_logical3A_102 = arith.shrui %get3A_99, %shift_right_logical3A_101 : vector<16xi32>
      %and3A_103 = arith.constant 127 : i32
      %and3A_104 = vector.broadcast %and3A_103 : i32 to vector<16xi32>
      %and3A_105 = arith.andi %get3A_99, %and3A_104 : vector<16xi32>
      tpu.vector_store_idx %arg12[%shift_right_logical3A_102, %and3A_105], %broadcast_in_dim3A_2 {add = true} : memref<80x128xf32, #tpu.memory_space<vmem>>[vector<16xi32>, vector<16xi32>], vector<16xf32>,
      %get3A_106 = arith.constant 21 : i32
      %get3A_107 = arith.index_cast %get3A_106 : i32 to index
      %get3A_108 = arith.constant 64 : index
      %get3A_109 = tpu.vector_load %arg11[%get3A_107, %get3A_108] {strides = array<i32>} : memref<25x80xi32, #tpu.memory_space<vmem>>, vector<16xi32>,
      %shift_right_logical3A_110 = arith.constant 7 : i32
      %shift_right_logical3A_111 = vector.broadcast %shift_right_logical3A_110 : i32 to vector<16xi32>
      %shift_right_logical3A_112 = arith.shrui %get3A_109, %shift_right_logical3A_111 : vector<16xi32>
      %and3A_113 = arith.constant 127 : i32
      %and3A_114 = vector.broadcast %and3A_113 : i32 to vector<16xi32>
      %and3A_115 = arith.andi %get3A_109, %and3A_114 : vector<16xi32>
      tpu.vector_store_idx %arg12[%shift_right_logical3A_112, %and3A_115], %broadcast_in_dim3A_2 {add = true} : memref<80x128xf32, #tpu.memory_space<vmem>>[vector<16xi32>, vector<16xi32>], vector<16xf32>,
      %dma_wait3A_116 = arith.constant 22 : i32
      %dma_wait3A_117 = arith.constant 0 : i32
      %dma_wait3A_118 = tpu.memref_slice %arg10[%dma_wait3A_116, %dma_wait3A_117] : memref<25x80xi32, #tpu.memory_space<vmem>> -> memref<1x80xi32, #tpu.memory_space<vmem>>
      %dma_wait3A_119 = tpu.memref_squeeze %dma_wait3A_118 : memref<1x80xi32, #tpu.memory_space<vmem>> -> memref<80xi32, #tpu.memory_space<vmem>>
      %dma_wait3A_120 = arith.constant 0 : i32
      %dma_wait3A_121 = arith.constant 0 : i32
      %dma_wait3A_122 = tpu.memref_slice %arg2[%dma_wait3A_120, %dma_wait3A_121] : memref<20000x128xf32, #tpu.memory_space<hbm>> -> memref<20000x128xf32, #tpu.memory_space<hbm>>
      tpu.wait_indirect_dma semaphore(%arg14 : memref<!tpu.dma_semaphore, #tpu.memory_space<semaphore_mem>>) src(%dma_wait3A_122 : memref<20000x128xf32, #tpu.memory_space<hbm>>) dst(%arg8 : memref<80x128xf32, #tpu.memory_space<vmem>>)
      %dma_start3A_123 = arith.constant 22 : i32
      %dma_start3A_124 = arith.constant 0 : i32
      %dma_start3A_125 = tpu.memref_slice %arg11[%dma_start3A_123, %dma_start3A_124] : memref<25x80xi32, #tpu.memory_space<vmem>> -> memref<1x80xi32, #tpu.memory_space<vmem>>
      %dma_start3A_126 = tpu.memref_squeeze %dma_start3A_125 : memref<1x80xi32, #tpu.memory_space<vmem>> -> memref<80xi32, #tpu.memory_space<vmem>>
      %dma_start3A_127 = arith.constant 0 : i32
      %dma_start3A_128 = arith.constant 0 : i32
      %dma_start3A_129 = tpu.memref_slice %arg6[%dma_start3A_127, %dma_start3A_128] : memref<10112x128xf32, #tpu.memory_space<vmem_shared>> -> memref<10112x128xf32, #tpu.memory_space<vmem_shared>>
      tpu.enqueue_indirect_dma source(%arg8 : memref<80x128xf32, #tpu.memory_space<vmem>>) target(%dma_start3A_129 : memref<10112x128xf32, #tpu.memory_space<vmem_shared>>) offsets(%dma_start3A_126 : memref<80xi32, #tpu.memory_space<vmem>>) semaphore(%arg17 : memref<!tpu.dma_semaphore, #tpu.memory_space<semaphore_mem>>) {add = true}
      %get3A_130 = arith.constant 22 : i32
      %get3A_131 = arith.index_cast %get3A_130 : i32 to index
      %get3A_132 = arith.constant 0 : index
      %get3A_133 = tpu.vector_load %arg11[%get3A_131, %get3A_132] {strides = array<i32>} : memref<25x80xi32, #tpu.memory_space<vmem>>, vector<16xi32>,
      %shift_right_logical3A_134 = arith.constant 7 : i32
      %shift_right_logical3A_135 = vector.broadcast %shift_right_logical3A_134 : i32 to vector<16xi32>
      %shift_right_logical3A_136 = arith.shrui %get3A_133, %shift_right_logical3A_135 : vector<16xi32>
      %and3A_137 = arith.constant 127 : i32
      %and3A_138 = vector.broadcast %and3A_137 : i32 to vector<16xi32>
      %and3A_139 = arith.andi %get3A_133, %and3A_138 : vector<16xi32>
      tpu.vector_store_idx %arg12[%shift_right_logical3A_136, %and3A_139], %broadcast_in_dim3A_2 {add = true} : memref<80x128xf32, #tpu.memory_space<vmem>>[vector<16xi32>, vector<16xi32>], vector<16xf32>,
      %get3A_140 = arith.constant 22 : i32
      %get3A_141 = arith.index_cast %get3A_140 : i32 to index
      %get3A_142 = arith.constant 16 : index
      %get3A_143 = tpu.vector_load %arg11[%get3A_141, %get3A_142] {strides = array<i32>} : memref<25x80xi32, #tpu.memory_space<vmem>>, vector<16xi32>,
      %shift_right_logical3A_144 = arith.constant 7 : i32
      %shift_right_logical3A_145 = vector.broadcast %shift_right_logical3A_144 : i32 to vector<16xi32>
      %shift_right_logical3A_146 = arith.shrui %get3A_143, %shift_right_logical3A_145 : vector<16xi32>
      %and3A_147 = arith.constant 127 : i32
      %and3A_148 = vector.broadcast %and3A_147 : i32 to vector<16xi32>
      %and3A_149 = arith.andi %get3A_143, %and3A_148 : vector<16xi32>
      tpu.vector_store_idx %arg12[%shift_right_logical3A_146, %and3A_149], %broadcast_in_dim3A_2 {add = true} : memref<80x128xf32, #tpu.memory_space<vmem>>[vector<16xi32>, vector<16xi32>], vector<16xf32>,
      %get3A_150 = arith.constant 22 : i32
      %get3A_151 = arith.index_cast %get3A_150 : i32 to index
      %get3A_152 = arith.constant 32 : index
      %get3A_153 = tpu.vector_load %arg11[%get3A_151, %get3A_152] {strides = array<i32>} : memref<25x80xi32, #tpu.memory_space<vmem>>, vector<16xi32>,
      %shift_right_logical3A_154 = arith.constant 7 : i32
      %shift_right_logical3A_155 = vector.broadcast %shift_right_logical3A_154 : i32 to vector<16xi32>
      %shift_right_logical3A_156 = arith.shrui %get3A_153, %shift_right_logical3A_155 : vector<16xi32>
      %and3A_157 = arith.constant 127 : i32
      %and3A_158 = vector.broadcast %and3A_157 : i32 to vector<16xi32>
      %and3A_159 = arith.andi %get3A_153, %and3A_158 : vector<16xi32>
      tpu.vector_store_idx %arg12[%shift_right_logical3A_156, %and3A_159], %broadcast_in_dim3A_2 {add = true} : memref<80x128xf32, #tpu.memory_space<vmem>>[vector<16xi32>, vector<16xi32>], vector<16xf32>,
      %get3A_160 = arith.constant 22 : i32
      %get3A_161 = arith.index_cast %get3A_160 : i32 to index
      %get3A_162 = arith.constant 48 : index
      %get3A_163 = tpu.vector_load %arg11[%get3A_161, %get3A_162] {strides = array<i32>} : memref<25x80xi32, #tpu.memory_space<vmem>>, vector<16xi32>,
      %shift_right_logical3A_164 = arith.constant 7 : i32
      %shift_right_logical3A_165 = vector.broadcast %shift_right_logical3A_164 : i32 to vector<16xi32>
      %shift_right_logical3A_166 = arith.shrui %get3A_163, %shift_right_logical3A_165 : vector<16xi32>
      %and3A_167 = arith.constant 127 : i32
      %and3A_168 = vector.broadcast %and3A_167 : i32 to vector<16xi32>
      %and3A_169 = arith.andi %get3A_163, %and3A_168 : vector<16xi32>
      tpu.vector_store_idx %arg12[%shift_right_logical3A_166, %and3A_169], %broadcast_in_dim3A_2 {add = true} : memref<80x128xf32, #tpu.memory_space<vmem>>[vector<16xi32>, vector<16xi32>], vector<16xf32>,
      %get3A_170 = arith.constant 22 : i32
      %get3A_171 = arith.index_cast %get3A_170 : i32 to index
      %get3A_172 = arith.constant 64 : index
      %get3A_173 = tpu.vector_load %arg11[%get3A_171, %get3A_172] {strides = array<i32>} : memref<25x80xi32, #tpu.memory_space<vmem>>, vector<16xi32>,
      %shift_right_logical3A_174 = arith.constant 7 : i32
      %shift_right_logical3A_175 = vector.broadcast %shift_right_logical3A_174 : i32 to vector<16xi32>
      %shift_right_logical3A_176 = arith.shrui %get3A_173, %shift_right_logical3A_175 : vector<16xi32>
      %and3A_177 = arith.constant 127 : i32
      %and3A_178 = vector.broadcast %and3A_177 : i32 to vector<16xi32>
      %and3A_179 = arith.andi %get3A_173, %and3A_178 : vector<16xi32>
      tpu.vector_store_idx %arg12[%shift_right_logical3A_176, %and3A_179], %broadcast_in_dim3A_2 {add = true} : memref<80x128xf32, #tpu.memory_space<vmem>>[vector<16xi32>, vector<16xi32>], vector<16xf32>,
      %dma_wait3A_180 = arith.constant 23 : i32
      %dma_wait3A_181 = arith.constant 0 : i32
      %dma_wait3A_182 = tpu.memref_slice %arg10[%dma_wait3A_180, %dma_wait3A_181] : memref<25x80xi32, #tpu.memory_space<vmem>> -> memref<1x80xi32, #tpu.memory_space<vmem>>
      %dma_wait3A_183 = tpu.memref_squeeze %dma_wait3A_182 : memref<1x80xi32, #tpu.memory_space<vmem>> -> memref<80xi32, #tpu.memory_space<vmem>>
      %dma_wait3A_184 = arith.constant 0 : i32
      %dma_wait3A_185 = arith.constant 0 : i32
      %dma_wait3A_186 = tpu.memref_slice %arg2[%dma_wait3A_184, %dma_wait3A_185] : memref<20000x128xf32, #tpu.memory_space<hbm>> -> memref<20000x128xf32, #tpu.memory_space<hbm>>
      tpu.wait_indirect_dma semaphore(%arg15 : memref<!tpu.dma_semaphore, #tpu.memory_space<semaphore_mem>>) src(%dma_wait3A_186 : memref<20000x128xf32, #tpu.memory_space<hbm>>) dst(%arg9 : memref<80x128xf32, #tpu.memory_space<vmem>>)
      %dma_start3A_187 = arith.constant 23 : i32
      %dma_start3A_188 = arith.constant 0 : i32
      %dma_start3A_189 = tpu.memref_slice %arg11[%dma_start3A_187, %dma_start3A_188] : memref<25x80xi32, #tpu.memory_space<vmem>> -> memref<1x80xi32, #tpu.memory_space<vmem>>
      %dma_start3A_190 = tpu.memref_squeeze %dma_start3A_189 : memref<1x80xi32, #tpu.memory_space<vmem>> -> memref<80xi32, #tpu.memory_space<vmem>>
      %dma_start3A_191 = arith.constant 0 : i32
      %dma_start3A_192 = arith.constant 0 : i32
      %dma_start3A_193 = tpu.memref_slice %arg6[%dma_start3A_191, %dma_start3A_192] : memref<10112x128xf32, #tpu.memory_space<vmem_shared>> -> memref<10112x128xf32, #tpu.memory_space<vmem_shared>>
      tpu.enqueue_indirect_dma source(%arg9 : memref<80x128xf32, #tpu.memory_space<vmem>>) target(%dma_start3A_193 : memref<10112x128xf32, #tpu.memory_space<vmem_shared>>) offsets(%dma_start3A_190 : memref<80xi32, #tpu.memory_space<vmem>>) semaphore(%arg18 : memref<!tpu.dma_semaphore, #tpu.memory_space<semaphore_mem>>) {add = true}
      %get3A_194 = arith.constant 23 : i32
      %get3A_195 = arith.index_cast %get3A_194 : i32 to index
      %get3A_196 = arith.constant 0 : index
      %get3A_197 = tpu.vector_load %arg11[%get3A_195, %get3A_196] {strides = array<i32>} : memref<25x80xi32, #tpu.memory_space<vmem>>, vector<16xi32>,
      %shift_right_logical3A_198 = arith.constant 7 : i32
      %shift_right_logical3A_199 = vector.broadcast %shift_right_logical3A_198 : i32 to vector<16xi32>
      %shift_right_logical3A_200 = arith.shrui %get3A_197, %shift_right_logical3A_199 : vector<16xi32>
      %and3A_201 = arith.constant 127 : i32
      %and3A_202 = vector.broadcast %and3A_201 : i32 to vector<16xi32>
      %and3A_203 = arith.andi %get3A_197, %and3A_202 : vector<16xi32>
      tpu.vector_store_idx %arg12[%shift_right_logical3A_200, %and3A_203], %broadcast_in_dim3A_2 {add = true} : memref<80x128xf32, #tpu.memory_space<vmem>>[vector<16xi32>, vector<16xi32>], vector<16xf32>,
      %get3A_204 = arith.constant 23 : i32
      %get3A_205 = arith.index_cast %get3A_204 : i32 to index
      %get3A_206 = arith.constant 16 : index
      %get3A_207 = tpu.vector_load %arg11[%get3A_205, %get3A_206] {strides = array<i32>} : memref<25x80xi32, #tpu.memory_space<vmem>>, vector<16xi32>,
      %shift_right_logical3A_208 = arith.constant 7 : i32
      %shift_right_logical3A_209 = vector.broadcast %shift_right_logical3A_208 : i32 to vector<16xi32>
      %shift_right_logical3A_210 = arith.shrui %get3A_207, %shift_right_logical3A_209 : vector<16xi32>
      %and3A_211 = arith.constant 127 : i32
      %and3A_212 = vector.broadcast %and3A_211 : i32 to vector<16xi32>
      %and3A_213 = arith.andi %get3A_207, %and3A_212 : vector<16xi32>
      tpu.vector_store_idx %arg12[%shift_right_logical3A_210, %and3A_213], %broadcast_in_dim3A_2 {add = true} : memref<80x128xf32, #tpu.memory_space<vmem>>[vector<16xi32>, vector<16xi32>], vector<16xf32>,
      %get3A_214 = arith.constant 23 : i32
      %get3A_215 = arith.index_cast %get3A_214 : i32 to index
      %get3A_216 = arith.constant 32 : index
      %get3A_217 = tpu.vector_load %arg11[%get3A_215, %get3A_216] {strides = array<i32>} : memref<25x80xi32, #tpu.memory_space<vmem>>, vector<16xi32>,
      %shift_right_logical3A_218 = arith.constant 7 : i32
      %shift_right_logical3A_219 = vector.broadcast %shift_right_logical3A_218 : i32 to vector<16xi32>
      %shift_right_logical3A_220 = arith.shrui %get3A_217, %shift_right_logical3A_219 : vector<16xi32>
      %and3A_221 = arith.constant 127 : i32
      %and3A_222 = vector.broadcast %and3A_221 : i32 to vector<16xi32>
      %and3A_223 = arith.andi %get3A_217, %and3A_222 : vector<16xi32>
      tpu.vector_store_idx %arg12[%shift_right_logical3A_220, %and3A_223], %broadcast_in_dim3A_2 {add = true} : memref<80x128xf32, #tpu.memory_space<vmem>>[vector<16xi32>, vector<16xi32>], vector<16xf32>,
      %get3A_224 = arith.constant 23 : i32
      %get3A_225 = arith.index_cast %get3A_224 : i32 to index
      %get3A_226 = arith.constant 48 : index
      %get3A_227 = tpu.vector_load %arg11[%get3A_225, %get3A_226] {strides = array<i32>} : memref<25x80xi32, #tpu.memory_space<vmem>>, vector<16xi32>,
      %shift_right_logical3A_228 = arith.constant 7 : i32
      %shift_right_logical3A_229 = vector.broadcast %shift_right_logical3A_228 : i32 to vector<16xi32>
      %shift_right_logical3A_230 = arith.shrui %get3A_227, %shift_right_logical3A_229 : vector<16xi32>
      %and3A_231 = arith.constant 127 : i32
      %and3A_232 = vector.broadcast %and3A_231 : i32 to vector<16xi32>
      %and3A_233 = arith.andi %get3A_227, %and3A_232 : vector<16xi32>
      tpu.vector_store_idx %arg12[%shift_right_logical3A_230, %and3A_233], %broadcast_in_dim3A_2 {add = true} : memref<80x128xf32, #tpu.memory_space<vmem>>[vector<16xi32>, vector<16xi32>], vector<16xf32>,
      %get3A_234 = arith.constant 23 : i32
      %get3A_235 = arith.index_cast %get3A_234 : i32 to index
      %get3A_236 = arith.constant 64 : index
      %get3A_237 = tpu.vector_load %arg11[%get3A_235, %get3A_236] {strides = array<i32>} : memref<25x80xi32, #tpu.memory_space<vmem>>, vector<16xi32>,
      %shift_right_logical3A_238 = arith.constant 7 : i32
      %shift_right_logical3A_239 = vector.broadcast %shift_right_logical3A_238 : i32 to vector<16xi32>
      %shift_right_logical3A_240 = arith.shrui %get3A_237, %shift_right_logical3A_239 : vector<16xi32>
      %and3A_241 = arith.constant 127 : i32
      %and3A_242 = vector.broadcast %and3A_241 : i32 to vector<16xi32>
      %and3A_243 = arith.andi %get3A_237, %and3A_242 : vector<16xi32>
      tpu.vector_store_idx %arg12[%shift_right_logical3A_240, %and3A_243], %broadcast_in_dim3A_2 {add = true} : memref<80x128xf32, #tpu.memory_space<vmem>>[vector<16xi32>, vector<16xi32>], vector<16xf32>,
      %dma_wait3A_244 = arith.constant 21 : i32
      %dma_wait3A_245 = arith.constant 0 : i32
      %dma_wait3A_246 = tpu.memref_slice %arg11[%dma_wait3A_244, %dma_wait3A_245] : memref<25x80xi32, #tpu.memory_space<vmem>> -> memref<1x80xi32, #tpu.memory_space<vmem>>
      %dma_wait3A_247 = tpu.memref_squeeze %dma_wait3A_246 : memref<1x80xi32, #tpu.memory_space<vmem>> -> memref<80xi32, #tpu.memory_space<vmem>>
      %dma_wait3A_248 = arith.constant 0 : i32
      %dma_wait3A_249 = arith.constant 0 : i32
      %dma_wait3A_250 = tpu.memref_slice %arg6[%dma_wait3A_248, %dma_wait3A_249] : memref<10112x128xf32, #tpu.memory_space<vmem_shared>> -> memref<10112x128xf32, #tpu.memory_space<vmem_shared>>
      tpu.wait_indirect_dma semaphore(%arg16 : memref<!tpu.dma_semaphore, #tpu.memory_space<semaphore_mem>>) src(%arg7 : memref<80x128xf32, #tpu.memory_space<vmem>>) dst(%dma_wait3A_250 : memref<10112x128xf32, #tpu.memory_space<vmem_shared>>)
      %dma_start3A_251 = arith.constant 24 : i32
      %dma_start3A_252 = arith.constant 0 : i32
      %dma_start3A_253 = tpu.memref_slice %arg10[%dma_start3A_251, %dma_start3A_252] : memref<25x80xi32, #tpu.memory_space<vmem>> -> memref<1x80xi32, #tpu.memory_space<vmem>>
      %dma_start3A_254 = tpu.memref_squeeze %dma_start3A_253 : memref<1x80xi32, #tpu.memory_space<vmem>> -> memref<80xi32, #tpu.memory_space<vmem>>
      %dma_start3A_255 = arith.constant 0 : i32
      %dma_start3A_256 = arith.constant 0 : i32
      %dma_start3A_257 = tpu.memref_slice %arg2[%dma_start3A_255, %dma_start3A_256] : memref<20000x128xf32, #tpu.memory_space<hbm>> -> memref<20000x128xf32, #tpu.memory_space<hbm>>
      tpu.enqueue_indirect_dma source(%dma_start3A_257 : memref<20000x128xf32, #tpu.memory_space<hbm>>) target(%arg7 : memref<80x128xf32, #tpu.memory_space<vmem>>) offsets(%dma_start3A_254 : memref<80xi32, #tpu.memory_space<vmem>>) semaphore(%arg13 : memref<!tpu.dma_semaphore, #tpu.memory_space<semaphore_mem>>)
      %dma_wait3A_258 = arith.constant 24 : i32
      %dma_wait3A_259 = arith.constant 0 : i32
      %dma_wait3A_260 = tpu.memref_slice %arg10[%dma_wait3A_258, %dma_wait3A_259] : memref<25x80xi32, #tpu.memory_space<vmem>> -> memref<1x80xi32, #tpu.memory_space<vmem>>
      %dma_wait3A_261 = tpu.memref_squeeze %dma_wait3A_260 : memref<1x80xi32, #tpu.memory_space<vmem>> -> memref<80xi32, #tpu.memory_space<vmem>>
      %dma_wait3A_262 = arith.constant 0 : i32
      %dma_wait3A_263 = arith.constant 0 : i32
      %dma_wait3A_264 = tpu.memref_slice %arg2[%dma_wait3A_262, %dma_wait3A_263] : memref<20000x128xf32, #tpu.memory_space<hbm>> -> memref<20000x128xf32, #tpu.memory_space<hbm>>
      tpu.wait_indirect_dma semaphore(%arg13 : memref<!tpu.dma_semaphore, #tpu.memory_space<semaphore_mem>>) src(%dma_wait3A_264 : memref<20000x128xf32, #tpu.memory_space<hbm>>) dst(%arg7 : memref<80x128xf32, #tpu.memory_space<vmem>>)
      %dma_start3A_265 = arith.constant 24 : i32
      %dma_start3A_266 = arith.constant 0 : i32
      %dma_start3A_267 = tpu.memref_slice %arg11[%dma_start3A_265, %dma_start3A_266] : memref<25x80xi32, #tpu.memory_space<vmem>> -> memref<1x80xi32, #tpu.memory_space<vmem>>
      %dma_start3A_268 = tpu.memref_squeeze %dma_start3A_267 : memref<1x80xi32, #tpu.memory_space<vmem>> -> memref<80xi32, #tpu.memory_space<vmem>>
      %dma_start3A_269 = arith.constant 0 : i32
      %dma_start3A_270 = arith.constant 0 : i32
      %dma_start3A_271 = tpu.memref_slice %arg6[%dma_start3A_269, %dma_start3A_270] : memref<10112x128xf32, #tpu.memory_space<vmem_shared>> -> memref<10112x128xf32, #tpu.memory_space<vmem_shared>>
      tpu.enqueue_indirect_dma source(%arg7 : memref<80x128xf32, #tpu.memory_space<vmem>>) target(%dma_start3A_271 : memref<10112x128xf32, #tpu.memory_space<vmem_shared>>) offsets(%dma_start3A_268 : memref<80xi32, #tpu.memory_space<vmem>>) semaphore(%arg16 : memref<!tpu.dma_semaphore, #tpu.memory_space<semaphore_mem>>) {add = true}
      %get3A_272 = arith.constant 24 : i32
      %get3A_273 = arith.index_cast %get3A_272 : i32 to index
      %get3A_274 = arith.constant 0 : index
      %get3A_275 = tpu.vector_load %arg11[%get3A_273, %get3A_274] {strides = array<i32>} : memref<25x80xi32, #tpu.memory_space<vmem>>, vector<16xi32>,
      %shift_right_logical3A_276 = arith.constant 7 : i32
      %shift_right_logical3A_277 = vector.broadcast %shift_right_logical3A_276 : i32 to vector<16xi32>
      %shift_right_logical3A_278 = arith.shrui %get3A_275, %shift_right_logical3A_277 : vector<16xi32>
      %and3A_279 = arith.constant 127 : i32
      %and3A_280 = vector.broadcast %and3A_279 : i32 to vector<16xi32>
      %and3A_281 = arith.andi %get3A_275, %and3A_280 : vector<16xi32>
      tpu.vector_store_idx %arg12[%shift_right_logical3A_278, %and3A_281], %broadcast_in_dim3A_2 {add = true} : memref<80x128xf32, #tpu.memory_space<vmem>>[vector<16xi32>, vector<16xi32>], vector<16xf32>,
      %get3A_282 = arith.constant 24 : i32
      %get3A_283 = arith.index_cast %get3A_282 : i32 to index
      %get3A_284 = arith.constant 16 : index
      %get3A_285 = tpu.vector_load %arg11[%get3A_283, %get3A_284] {strides = array<i32>} : memref<25x80xi32, #tpu.memory_space<vmem>>, vector<16xi32>,
      %shift_right_logical3A_286 = arith.constant 7 : i32
      %shift_right_logical3A_287 = vector.broadcast %shift_right_logical3A_286 : i32 to vector<16xi32>
      %shift_right_logical3A_288 = arith.shrui %get3A_285, %shift_right_logical3A_287 : vector<16xi32>
      %and3A_289 = arith.constant 127 : i32
      %and3A_290 = vector.broadcast %and3A_289 : i32 to vector<16xi32>
      %and3A_291 = arith.andi %get3A_285, %and3A_290 : vector<16xi32>
      tpu.vector_store_idx %arg12[%shift_right_logical3A_288, %and3A_291], %broadcast_in_dim3A_2 {add = true} : memref<80x128xf32, #tpu.memory_space<vmem>>[vector<16xi32>, vector<16xi32>], vector<16xf32>,
      %get3A_292 = arith.constant 24 : i32
      %get3A_293 = arith.index_cast %get3A_292 : i32 to index
      %get3A_294 = arith.constant 32 : index
      %get3A_295 = tpu.vector_load %arg11[%get3A_293, %get3A_294] {strides = array<i32>} : memref<25x80xi32, #tpu.memory_space<vmem>>, vector<16xi32>,
      %shift_right_logical3A_296 = arith.constant 7 : i32
      %shift_right_logical3A_297 = vector.broadcast %shift_right_logical3A_296 : i32 to vector<16xi32>
      %shift_right_logical3A_298 = arith.shrui %get3A_295, %shift_right_logical3A_297 : vector<16xi32>
      %and3A_299 = arith.constant 127 : i32
      %and3A_300 = vector.broadcast %and3A_299 : i32 to vector<16xi32>
      %and3A_301 = arith.andi %get3A_295, %and3A_300 : vector<16xi32>
      tpu.vector_store_idx %arg12[%shift_right_logical3A_298, %and3A_301], %broadcast_in_dim3A_2 {add = true} : memref<80x128xf32, #tpu.memory_space<vmem>>[vector<16xi32>, vector<16xi32>], vector<16xf32>,
      %get3A_302 = arith.constant 24 : i32
      %get3A_303 = arith.index_cast %get3A_302 : i32 to index
      %get3A_304 = arith.constant 48 : index
      %get3A_305 = tpu.vector_load %arg11[%get3A_303, %get3A_304] {strides = array<i32>} : memref<25x80xi32, #tpu.memory_space<vmem>>, vector<16xi32>,
      %shift_right_logical3A_306 = arith.constant 7 : i32
      %shift_right_logical3A_307 = vector.broadcast %shift_right_logical3A_306 : i32 to vector<16xi32>
      %shift_right_logical3A_308 = arith.shrui %get3A_305, %shift_right_logical3A_307 : vector<16xi32>
      %and3A_309 = arith.constant 127 : i32
      %and3A_310 = vector.broadcast %and3A_309 : i32 to vector<16xi32>
      %and3A_311 = arith.andi %get3A_305, %and3A_310 : vector<16xi32>
      tpu.vector_store_idx %arg12[%shift_right_logical3A_308, %and3A_311], %broadcast_in_dim3A_2 {add = true} : memref<80x128xf32, #tpu.memory_space<vmem>>[vector<16xi32>, vector<16xi32>], vector<16xf32>,
      %get3A_312 = arith.constant 24 : i32
      %get3A_313 = arith.index_cast %get3A_312 : i32 to index
      %get3A_314 = arith.constant 64 : index
      %get3A_315 = tpu.vector_load %arg11[%get3A_313, %get3A_314] {strides = array<i32>} : memref<25x80xi32, #tpu.memory_space<vmem>>, vector<16xi32>,
      %shift_right_logical3A_316 = arith.constant 7 : i32
      %shift_right_logical3A_317 = vector.broadcast %shift_right_logical3A_316 : i32 to vector<16xi32>
      %shift_right_logical3A_318 = arith.shrui %get3A_315, %shift_right_logical3A_317 : vector<16xi32>
      %and3A_319 = arith.constant 127 : i32
      %and3A_320 = vector.broadcast %and3A_319 : i32 to vector<16xi32>
      %and3A_321 = arith.andi %get3A_315, %and3A_320 : vector<16xi32>
      tpu.vector_store_idx %arg12[%shift_right_logical3A_318, %and3A_321], %broadcast_in_dim3A_2 {add = true} : memref<80x128xf32, #tpu.memory_space<vmem>>[vector<16xi32>, vector<16xi32>], vector<16xf32>,
      %dma_wait3A_322 = arith.constant 22 : i32
      %dma_wait3A_323 = arith.constant 0 : i32
      %dma_wait3A_324 = tpu.memref_slice %arg11[%dma_wait3A_322, %dma_wait3A_323] : memref<25x80xi32, #tpu.memory_space<vmem>> -> memref<1x80xi32, #tpu.memory_space<vmem>>
      %dma_wait3A_325 = tpu.memref_squeeze %dma_wait3A_324 : memref<1x80xi32, #tpu.memory_space<vmem>> -> memref<80xi32, #tpu.memory_space<vmem>>
      %dma_wait3A_326 = arith.constant 0 : i32
      %dma_wait3A_327 = arith.constant 0 : i32
      %dma_wait3A_328 = tpu.memref_slice %arg6[%dma_wait3A_326, %dma_wait3A_327] : memref<10112x128xf32, #tpu.memory_space<vmem_shared>> -> memref<10112x128xf32, #tpu.memory_space<vmem_shared>>
      tpu.wait_indirect_dma semaphore(%arg17 : memref<!tpu.dma_semaphore, #tpu.memory_space<semaphore_mem>>) src(%arg8 : memref<80x128xf32, #tpu.memory_space<vmem>>) dst(%dma_wait3A_328 : memref<10112x128xf32, #tpu.memory_space<vmem_shared>>)
      %dma_wait3A_329 = arith.constant 23 : i32
      %dma_wait3A_330 = arith.constant 0 : i32
      %dma_wait3A_331 = tpu.memref_slice %arg11[%dma_wait3A_329, %dma_wait3A_330] : memref<25x80xi32, #tpu.memory_space<vmem>> -> memref<1x80xi32, #tpu.memory_space<vmem>>
      %dma_wait3A_332 = tpu.memref_squeeze %dma_wait3A_331 : memref<1x80xi32, #tpu.memory_space<vmem>> -> memref<80xi32, #tpu.memory_space<vmem>>
      %dma_wait3A_333 = arith.constant 0 : i32
      %dma_wait3A_334 = arith.constant 0 : i32
      %dma_wait3A_335 = tpu.memref_slice %arg6[%dma_wait3A_333, %dma_wait3A_334] : memref<10112x128xf32, #tpu.memory_space<vmem_shared>> -> memref<10112x128xf32, #tpu.memory_space<vmem_shared>>
      tpu.wait_indirect_dma semaphore(%arg18 : memref<!tpu.dma_semaphore, #tpu.memory_space<semaphore_mem>>) src(%arg9 : memref<80x128xf32, #tpu.memory_space<vmem>>) dst(%dma_wait3A_335 : memref<10112x128xf32, #tpu.memory_space<vmem_shared>>)
      %dma_wait3A_336 = arith.constant 24 : i32
      %dma_wait3A_337 = arith.constant 0 : i32
      %dma_wait3A_338 = tpu.memref_slice %arg11[%dma_wait3A_336, %dma_wait3A_337] : memref<25x80xi32, #tpu.memory_space<vmem>> -> memref<1x80xi32, #tpu.memory_space<vmem>>
      %dma_wait3A_339 = tpu.memref_squeeze %dma_wait3A_338 : memref<1x80xi32, #tpu.memory_space<vmem>> -> memref<80xi32, #tpu.memory_space<vmem>>
      %dma_wait3A_340 = arith.constant 0 : i32
      %dma_wait3A_341 = arith.constant 0 : i32
      %dma_wait3A_342 = tpu.memref_slice %arg6[%dma_wait3A_340, %dma_wait3A_341] : memref<10112x128xf32, #tpu.memory_space<vmem_shared>> -> memref<10112x128xf32, #tpu.memory_space<vmem_shared>>
      tpu.wait_indirect_dma semaphore(%arg16 : memref<!tpu.dma_semaphore, #tpu.memory_space<semaphore_mem>>) src(%arg7 : memref<80x128xf32, #tpu.memory_space<vmem>>) dst(%dma_wait3A_342 : memref<10112x128xf32, #tpu.memory_space<vmem_shared>>)
    }
    %scan3A_21 = arith.constant 10 : i32
    %scan3A_22 = arith.constant 0 : i32
    %scan3A_23 = arith.constant 0 : i32
    %scan3A_24 = arith.constant 5 : i32
    %scan3A_25 = arith.addi %scan3A_23, %scan3A_24 : i32
    %scan3A_26 = arith.constant 1 : i32
    scf.for %scan3A_29 = %scan3A_23 to %scan3A_25 step %scan3A_26  : i32 {
      %iota3A = tpu.iota {dimensions = array<i32: 0>} : vector<16xi32>
      %mul3A_30 = arith.constant 16 : i32
      %mul3A_31 = arith.muli %scan3A_29, %mul3A_30 : i32
      %add3A_32 = arith.constant 10000 : i32
      %add3A_33 = arith.addi %add3A_32, %mul3A_31 : i32
      %add3A_34 = vector.broadcast %add3A_33 : i32 to vector<16xi32>
      %add3A_35 = arith.addi %iota3A, %add3A_34 : vector<16xi32>
      %mul3A_36 = arith.constant 16 : i32
      %mul3A_37 = arith.muli %scan3A_29, %mul3A_36 : i32
      %swap3A = arith.constant 0 : i32
      %swap3A_38 = arith.index_cast %swap3A : i32 to index
      %swap3A_39 = arith.index_cast %mul3A_37 : i32 to index
      %swap3A_40 = tpu.vector_load %arg11[%swap3A_38, %swap3A_39] {strides = array<i32>} : memref<25x80xi32, #tpu.memory_space<vmem>>, vector<16xi32>,
      tpu.vector_store %arg11[%swap3A_38, %swap3A_39], %add3A_35 {strides = array<i32>} : memref<25x80xi32, #tpu.memory_space<vmem>>, vector<16xi32>,
    }
    %scan3A_27 = arith.constant 5 : i32
    %run_scoped3A = arith.constant 0 : i32
    "tpu.region"() ({
      %run_scoped3A_29 = tpu.sem_alloc : memref<!tpu.dma_semaphore, #tpu.memory_space<semaphore_mem>>
      %dma_start3A = arith.constant 0 : i32
      %dma_start3A_30 = tpu.memref_slice %arg11[%run_scoped3A, %dma_start3A] : memref<25x80xi32, #tpu.memory_space<vmem>> -> memref<1x80xi32, #tpu.memory_space<vmem>>
      %dma_start3A_31 = tpu.memref_squeeze %dma_start3A_30 : memref<1x80xi32, #tpu.memory_space<vmem>> -> memref<80xi32, #tpu.memory_space<vmem>>
      %dma_start3A_32 = arith.constant 0 : i32
      %dma_start3A_33 = arith.constant 0 : i32
      %dma_start3A_34 = tpu.memref_slice %arg6[%dma_start3A_32, %dma_start3A_33] : memref<10112x128xf32, #tpu.memory_space<vmem_shared>> -> memref<10112x128xf32, #tpu.memory_space<vmem_shared>>
      tpu.enqueue_indirect_dma source(%arg12 : memref<80x128xf32, #tpu.memory_space<vmem>>) target(%dma_start3A_34 : memref<10112x128xf32, #tpu.memory_space<vmem_shared>>) offsets(%dma_start3A_31 : memref<80xi32, #tpu.memory_space<vmem>>) semaphore(%run_scoped3A_29 : memref<!tpu.dma_semaphore, #tpu.memory_space<semaphore_mem>>) {add = true}
      %dma_wait3A = arith.constant 0 : i32
      %dma_wait3A_35 = tpu.memref_slice %arg11[%run_scoped3A, %dma_wait3A] : memref<25x80xi32, #tpu.memory_space<vmem>> -> memref<1x80xi32, #tpu.memory_space<vmem>>
      %dma_wait3A_36 = tpu.memref_squeeze %dma_wait3A_35 : memref<1x80xi32, #tpu.memory_space<vmem>> -> memref<80xi32, #tpu.memory_space<vmem>>
      %dma_wait3A_37 = arith.constant 0 : i32
      %dma_wait3A_38 = arith.constant 0 : i32
      %dma_wait3A_39 = tpu.memref_slice %arg6[%dma_wait3A_37, %dma_wait3A_38] : memref<10112x128xf32, #tpu.memory_space<vmem_shared>> -> memref<10112x128xf32, #tpu.memory_space<vmem_shared>>
      tpu.wait_indirect_dma semaphore(%run_scoped3A_29 : memref<!tpu.dma_semaphore, #tpu.memory_space<semaphore_mem>>) src(%arg12 : memref<80x128xf32, #tpu.memory_space<vmem>>) dst(%dma_wait3A_39 : memref<10112x128xf32, #tpu.memory_space<vmem_shared>>)
      tpu.yield
    }) : () -> ()
    %barrier3A_28 = arith.constant 0 : index
    tpu.barrier barrier_id(%barrier3A_28)
    "tpu.region"() ({
      %run_scoped3A_29 = tpu.sem_alloc : memref<!tpu.dma_semaphore, #tpu.memory_space<semaphore_mem>>
      %dma_start3A = arith.constant 0 : i32
      %dma_start3A_30 = tpu.memref_slice %arg5[%arg0, %mul3A_8, %dma_start3A] : memref<2x10112x128xf32, #tpu.memory_space<hbm>> -> memref<1x632x128xf32, #tpu.memory_space<hbm>>
      %dma_start3A_31 = tpu.memref_squeeze %dma_start3A_30 : memref<1x632x128xf32, #tpu.memory_space<hbm>> -> memref<632x128xf32, #tpu.memory_space<hbm>>
      %dma_start3A_32 = arith.constant 0 : i32
      %dma_start3A_33 = tpu.memref_slice %arg6[%mul3A_8, %dma_start3A_32] : memref<10112x128xf32, #tpu.memory_space<vmem_shared>> -> memref<632x128xf32, #tpu.memory_space<vmem_shared>>
      tpu.enqueue_dma source(%dma_start3A_33 : memref<632x128xf32, #tpu.memory_space<vmem_shared>>) target(%dma_start3A_31 : memref<632x128xf32, #tpu.memory_space<hbm>>) target_semaphore(%run_scoped3A_29 : memref<!tpu.dma_semaphore, #tpu.memory_space<semaphore_mem>>)
      %dma_wait3A = arith.constant 0 : i32
      %dma_wait3A_34 = tpu.memref_slice %arg5[%arg0, %mul3A_8, %dma_wait3A] : memref<2x10112x128xf32, #tpu.memory_space<hbm>> -> memref<1x632x128xf32, #tpu.memory_space<hbm>>
      %dma_wait3A_35 = tpu.memref_squeeze %dma_wait3A_34 : memref<1x632x128xf32, #tpu.memory_space<hbm>> -> memref<632x128xf32, #tpu.memory_space<hbm>>
      %dma_wait3A_36 = arith.constant 0 : i32
      %dma_wait3A_37 = tpu.memref_slice %arg6[%mul3A_8, %dma_wait3A_36] : memref<10112x128xf32, #tpu.memory_space<vmem_shared>> -> memref<632x128xf32, #tpu.memory_space<vmem_shared>>
      tpu.wait_dma2 semaphore(%run_scoped3A_29 : memref<!tpu.dma_semaphore, #tpu.memory_space<semaphore_mem>>) src(%dma_wait3A_37 : memref<632x128xf32, #tpu.memory_space<vmem_shared>>) dst(%dma_wait3A_35 : memref<632x128xf32, #tpu.memory_space<hbm>>)
      tpu.yield
    }) : () -> ()
    return
  }
}

module attributes {stable_mosaic.version = 14 : i64} {
  func.func @_tc_body(%arg0: i32, %arg1: i32, %arg2: memref<1x1264x128xf32, #tpu.memory_space<vmem>>, %arg3: memref<1x1264x1xf32, #tpu.memory_space<vmem>>, %arg4: memref<1x128x128xf32, #tpu.memory_space<vmem>>, %arg5: memref<1x1x128xf32, #tpu.memory_space<vmem>>, %arg6: memref<1x128x128xf32, #tpu.memory_space<vmem>>, %arg7: memref<1x1x128xf32, #tpu.memory_space<vmem>>, %arg8: memref<1x128x128xf32, #tpu.memory_space<vmem>>, %arg9: memref<1x1x128xf32, #tpu.memory_space<vmem>>, %arg10: memref<1x128x128xf32, #tpu.memory_space<vmem>>, %arg11: memref<1x1x128xf32, #tpu.memory_space<vmem>>, %arg12: memref<1x128x128xf32, #tpu.memory_space<vmem>>, %arg13: memref<1x1x128xf32, #tpu.memory_space<vmem>>, %arg14: memref<1x1264x128xf32, #tpu.memory_space<vmem>>, %arg15: memref<1x1264x128xf32, #tpu.memory_space<vmem>>) attributes {dimension_semantics = [#tpu.dimension_semantics<arbitrary>, #tpu.dimension_semantics<arbitrary>], iteration_bounds = array<i64: 2, 8>, scalar_prefetch = 0 : i64, scratch_operands = 0 : i64, tpu.core_type = #tpu.core_type<tc>, window_params = [{transform_indices = @transform_0, window_bounds = array<i64: 1, 1264, 128>}, {transform_indices = @transform_1, window_bounds = array<i64: 1, 1264, 1>}, {transform_indices = @transform_2, window_bounds = array<i64: 1, 128, 128>}, {transform_indices = @transform_3, window_bounds = array<i64: 1, 1, 128>}, {transform_indices = @transform_4, window_bounds = array<i64: 1, 128, 128>}, {transform_indices = @transform_5, window_bounds = array<i64: 1, 1, 128>}, {transform_indices = @transform_6, window_bounds = array<i64: 1, 128, 128>}, {transform_indices = @transform_7, window_bounds = array<i64: 1, 1, 128>}, {transform_indices = @transform_8, window_bounds = array<i64: 1, 128, 128>}, {transform_indices = @transform_9, window_bounds = array<i64: 1, 1, 128>}, {transform_indices = @transform_10, window_bounds = array<i64: 1, 128, 128>}, {transform_indices = @transform_11, window_bounds = array<i64: 1, 1, 128>}, {transform_indices = @transform_12, window_bounds = array<i64: 1, 1264, 128>}, {transform_indices = @transform_13, window_bounds = array<i64: 1, 1264, 128>}]} {
    %get3A = arith.constant 0 : index
    %get3A_0 = arith.constant 0 : index
    %get3A_1 = arith.constant 0 : index
    %get3A_2 = vector.load %arg2[%get3A, %get3A_0, %get3A_1] : memref<1x1264x128xf32, #tpu.memory_space<vmem>>, vector<1x1264x128xf32>
    %get3A_3 = vector.shape_cast %get3A_2 : vector<1x1264x128xf32> to vector<1264x128xf32>
    %get3A_4 = arith.constant 0 : index
    %get3A_5 = arith.constant 0 : index
    %get3A_6 = arith.constant 0 : index
    %get3A_7 = vector.load %arg3[%get3A_4, %get3A_5, %get3A_6] : memref<1x1264x1xf32, #tpu.memory_space<vmem>>, vector<1x1264x1xf32>
    %get3A_8 = vector.shape_cast %get3A_7 : vector<1x1264x1xf32> to vector<1264x1xf32>
    %max3A = arith.constant 1.000000e+00 : f32
    %max3A_9 = vector.broadcast %max3A : f32 to vector<1264x1xf32>
    %max3A_10 = arith.maximumf %get3A_8, %max3A_9 : vector<1264x1xf32>
    %div3A = vector.broadcast %max3A_10 : vector<1264x1xf32> to vector<1264x128xf32>
    %div3A_11 = arith.divf %get3A_3, %div3A : vector<1264x128xf32>
    %get3A_12 = arith.constant 0 : index
    %get3A_13 = arith.constant 0 : index
    %get3A_14 = arith.constant 0 : index
    %get3A_15 = vector.load %arg4[%get3A_12, %get3A_13, %get3A_14] : memref<1x128x128xf32, #tpu.memory_space<vmem>>, vector<1x128x128xf32>
    %get3A_16 = vector.shape_cast %get3A_15 : vector<1x128x128xf32> to vector<128x128xf32>
    %dot_general3A = arith.constant dense<0.000000e+00> : vector<1264x128xf32>
    %dot_general3A_17 = tpu.matmul %div3A_11, %get3A_16, %dot_general3A {dimension_numbers = #tpu.dot_dimension_numbers<[1], [0], [0], [1], [0, 0, 1, 1], [], []>, transpose_lhs_hint = false} : vector<1264x128xf32>, vector<128x128xf32>, vector<1264x128xf32> -> vector<1264x128xf32>
    %get3A_18 = arith.constant 0 : index
    %get3A_19 = arith.constant 0 : index
    %get3A_20 = arith.constant 0 : index
    %get3A_21 = vector.load %arg5[%get3A_18, %get3A_19, %get3A_20] : memref<1x1x128xf32, #tpu.memory_space<vmem>>, vector<1x1x128xf32>
    %get3A_22 = vector.shape_cast %get3A_21 : vector<1x1x128xf32> to vector<1x128xf32>
    %add3A = vector.broadcast %get3A_22 : vector<1x128xf32> to vector<1264x128xf32>
    %add3A_23 = arith.addf %dot_general3A_17, %add3A : vector<1264x128xf32>
    %max3A_24 = arith.constant 0.000000e+00 : f32
    %max3A_25 = vector.broadcast %max3A_24 : f32 to vector<1264x128xf32>
    %max3A_26 = arith.maximumf %add3A_23, %max3A_25 : vector<1264x128xf32>
    %get3A_27 = arith.constant 0 : index
    %get3A_28 = arith.constant 0 : index
    %get3A_29 = arith.constant 0 : index
    %get3A_30 = vector.load %arg6[%get3A_27, %get3A_28, %get3A_29] : memref<1x128x128xf32, #tpu.memory_space<vmem>>, vector<1x128x128xf32>
    %get3A_31 = vector.shape_cast %get3A_30 : vector<1x128x128xf32> to vector<128x128xf32>
    %dot_general3A_32 = arith.constant dense<0.000000e+00> : vector<1264x128xf32>
    %dot_general3A_33 = tpu.matmul %max3A_26, %get3A_31, %dot_general3A_32 {dimension_numbers = #tpu.dot_dimension_numbers<[1], [0], [0], [1], [0, 0, 1, 1], [], []>, transpose_lhs_hint = false} : vector<1264x128xf32>, vector<128x128xf32>, vector<1264x128xf32> -> vector<1264x128xf32>
    %get3A_34 = arith.constant 0 : index
    %get3A_35 = arith.constant 0 : index
    %get3A_36 = arith.constant 0 : index
    %get3A_37 = vector.load %arg7[%get3A_34, %get3A_35, %get3A_36] : memref<1x1x128xf32, #tpu.memory_space<vmem>>, vector<1x1x128xf32>
    %get3A_38 = vector.shape_cast %get3A_37 : vector<1x1x128xf32> to vector<1x128xf32>
    %add3A_39 = vector.broadcast %get3A_38 : vector<1x128xf32> to vector<1264x128xf32>
    %add3A_40 = arith.addf %dot_general3A_33, %add3A_39 : vector<1264x128xf32>
    %swap3A = arith.constant 0 : index
    %swap3A_41 = arith.constant 0 : index
    %swap3A_42 = arith.constant 0 : index
    %swap3A_43 = vector.load %arg14[%swap3A, %swap3A_41, %swap3A_42] : memref<1x1264x128xf32, #tpu.memory_space<vmem>>, vector<1x1264x128xf32>
    %swap3A_44 = vector.shape_cast %swap3A_43 : vector<1x1264x128xf32> to vector<1264x128xf32>
    %swap3A_45 = vector.shape_cast %add3A_40 : vector<1264x128xf32> to vector<1x1264x128xf32>
    tpu.vector_store %arg14[%swap3A, %swap3A_41, %swap3A_42], %swap3A_45 {strides = array<i32>} : memref<1x1264x128xf32, #tpu.memory_space<vmem>>, vector<1x1264x128xf32>,
    %get3A_46 = arith.constant 0 : index
    %get3A_47 = arith.constant 0 : index
    %get3A_48 = arith.constant 0 : index
    %get3A_49 = vector.load %arg8[%get3A_46, %get3A_47, %get3A_48] : memref<1x128x128xf32, #tpu.memory_space<vmem>>, vector<1x128x128xf32>
    %get3A_50 = vector.shape_cast %get3A_49 : vector<1x128x128xf32> to vector<128x128xf32>
    %dot_general3A_51 = arith.constant dense<0.000000e+00> : vector<1264x128xf32>
    %dot_general3A_52 = tpu.matmul %add3A_40, %get3A_50, %dot_general3A_51 {dimension_numbers = #tpu.dot_dimension_numbers<[1], [0], [0], [1], [0, 0, 1, 1], [], []>, transpose_lhs_hint = false} : vector<1264x128xf32>, vector<128x128xf32>, vector<1264x128xf32> -> vector<1264x128xf32>
    %get3A_53 = arith.constant 0 : index
    %get3A_54 = arith.constant 0 : index
    %get3A_55 = arith.constant 0 : index
    %get3A_56 = vector.load %arg9[%get3A_53, %get3A_54, %get3A_55] : memref<1x1x128xf32, #tpu.memory_space<vmem>>, vector<1x1x128xf32>
    %get3A_57 = vector.shape_cast %get3A_56 : vector<1x1x128xf32> to vector<1x128xf32>
    %add3A_58 = vector.broadcast %get3A_57 : vector<1x128xf32> to vector<1264x128xf32>
    %add3A_59 = arith.addf %dot_general3A_52, %add3A_58 : vector<1264x128xf32>
    %max3A_60 = arith.constant 0.000000e+00 : f32
    %max3A_61 = vector.broadcast %max3A_60 : f32 to vector<1264x128xf32>
    %max3A_62 = arith.maximumf %add3A_59, %max3A_61 : vector<1264x128xf32>
    %get3A_63 = arith.constant 0 : index
    %get3A_64 = arith.constant 0 : index
    %get3A_65 = arith.constant 0 : index
    %get3A_66 = vector.load %arg10[%get3A_63, %get3A_64, %get3A_65] : memref<1x128x128xf32, #tpu.memory_space<vmem>>, vector<1x128x128xf32>
    %get3A_67 = vector.shape_cast %get3A_66 : vector<1x128x128xf32> to vector<128x128xf32>
    %dot_general3A_68 = arith.constant dense<0.000000e+00> : vector<1264x128xf32>
    %dot_general3A_69 = tpu.matmul %max3A_62, %get3A_67, %dot_general3A_68 {dimension_numbers = #tpu.dot_dimension_numbers<[1], [0], [0], [1], [0, 0, 1, 1], [], []>, transpose_lhs_hint = false} : vector<1264x128xf32>, vector<128x128xf32>, vector<1264x128xf32> -> vector<1264x128xf32>
    %get3A_70 = arith.constant 0 : index
    %get3A_71 = arith.constant 0 : index
    %get3A_72 = arith.constant 0 : index
    %get3A_73 = vector.load %arg11[%get3A_70, %get3A_71, %get3A_72] : memref<1x1x128xf32, #tpu.memory_space<vmem>>, vector<1x1x128xf32>
    %get3A_74 = vector.shape_cast %get3A_73 : vector<1x1x128xf32> to vector<1x128xf32>
    %add3A_75 = vector.broadcast %get3A_74 : vector<1x128xf32> to vector<1264x128xf32>
    %add3A_76 = arith.addf %dot_general3A_69, %add3A_75 : vector<1264x128xf32>
    %max3A_77 = arith.constant 0.000000e+00 : f32
    %max3A_78 = vector.broadcast %max3A_77 : f32 to vector<1264x128xf32>
    %max3A_79 = arith.maximumf %add3A_76, %max3A_78 : vector<1264x128xf32>
    %get3A_80 = arith.constant 0 : index
    %get3A_81 = arith.constant 0 : index
    %get3A_82 = arith.constant 0 : index
    %get3A_83 = vector.load %arg12[%get3A_80, %get3A_81, %get3A_82] : memref<1x128x128xf32, #tpu.memory_space<vmem>>, vector<1x128x128xf32>
    %get3A_84 = vector.shape_cast %get3A_83 : vector<1x128x128xf32> to vector<128x128xf32>
    %dot_general3A_85 = arith.constant dense<0.000000e+00> : vector<1264x128xf32>
    %dot_general3A_86 = tpu.matmul %max3A_79, %get3A_84, %dot_general3A_85 {dimension_numbers = #tpu.dot_dimension_numbers<[1], [0], [0], [1], [0, 0, 1, 1], [], []>, transpose_lhs_hint = false} : vector<1264x128xf32>, vector<128x128xf32>, vector<1264x128xf32> -> vector<1264x128xf32>
    %get3A_87 = arith.constant 0 : index
    %get3A_88 = arith.constant 0 : index
    %get3A_89 = arith.constant 0 : index
    %get3A_90 = vector.load %arg13[%get3A_87, %get3A_88, %get3A_89] : memref<1x1x128xf32, #tpu.memory_space<vmem>>, vector<1x1x128xf32>
    %get3A_91 = vector.shape_cast %get3A_90 : vector<1x1x128xf32> to vector<1x128xf32>
    %add3A_92 = vector.broadcast %get3A_91 : vector<1x128xf32> to vector<1264x128xf32>
    %add3A_93 = arith.addf %dot_general3A_86, %add3A_92 : vector<1264x128xf32>
    %swap3A_94 = arith.constant 0 : index
    %swap3A_95 = arith.constant 0 : index
    %swap3A_96 = arith.constant 0 : index
    %swap3A_97 = vector.load %arg15[%swap3A_94, %swap3A_95, %swap3A_96] : memref<1x1264x128xf32, #tpu.memory_space<vmem>>, vector<1x1264x128xf32>
    %swap3A_98 = vector.shape_cast %swap3A_97 : vector<1x1264x128xf32> to vector<1264x128xf32>
    %swap3A_99 = vector.shape_cast %add3A_93 : vector<1264x128xf32> to vector<1x1264x128xf32>
    tpu.vector_store %arg15[%swap3A_94, %swap3A_95, %swap3A_96], %swap3A_99 {strides = array<i32>} : memref<1x1264x128xf32, #tpu.memory_space<vmem>>, vector<1x1264x128xf32>,
    return
  }
  func.func @transform_0(%arg0: i32, %arg1: i32) -> (i32, i32, i32) {
    %c0_i32 = arith.constant 0 : i32
    %c0_i32_0 = arith.constant 0 : i32
    return %arg0, %arg1, %c0_i32 : i32, i32, i32
  }
  func.func @transform_1(%arg0: i32, %arg1: i32) -> (i32, i32, i32) {
    %c0_i32 = arith.constant 0 : i32
    %c0_i32_0 = arith.constant 0 : i32
    return %arg0, %arg1, %c0_i32 : i32, i32, i32
  }
  func.func @transform_2(%arg0: i32, %arg1: i32) -> (i32, i32, i32) {
    %c0_i32 = arith.constant 0 : i32
    %c0_i32_0 = arith.constant 0 : i32
    %c0_i32_1 = arith.constant 0 : i32
    return %arg0, %c0_i32, %c0_i32_0 : i32, i32, i32
  }
  func.func @transform_3(%arg0: i32, %arg1: i32) -> (i32, i32, i32) {
    %c0_i32 = arith.constant 0 : i32
    %c0_i32_0 = arith.constant 0 : i32
    %c0_i32_1 = arith.constant 0 : i32
    return %arg0, %c0_i32, %c0_i32_0 : i32, i32, i32
  }
  func.func @transform_4(%arg0: i32, %arg1: i32) -> (i32, i32, i32) {
    %c0_i32 = arith.constant 0 : i32
    %c0_i32_0 = arith.constant 0 : i32
    %c0_i32_1 = arith.constant 0 : i32
    return %arg0, %c0_i32, %c0_i32_0 : i32, i32, i32
  }
  func.func @transform_5(%arg0: i32, %arg1: i32) -> (i32, i32, i32) {
    %c0_i32 = arith.constant 0 : i32
    %c0_i32_0 = arith.constant 0 : i32
    %c0_i32_1 = arith.constant 0 : i32
    return %arg0, %c0_i32, %c0_i32_0 : i32, i32, i32
  }
  func.func @transform_6(%arg0: i32, %arg1: i32) -> (i32, i32, i32) {
    %c0_i32 = arith.constant 0 : i32
    %c0_i32_0 = arith.constant 0 : i32
    %c0_i32_1 = arith.constant 0 : i32
    return %arg0, %c0_i32, %c0_i32_0 : i32, i32, i32
  }
  func.func @transform_7(%arg0: i32, %arg1: i32) -> (i32, i32, i32) {
    %c0_i32 = arith.constant 0 : i32
    %c0_i32_0 = arith.constant 0 : i32
    %c0_i32_1 = arith.constant 0 : i32
    return %arg0, %c0_i32, %c0_i32_0 : i32, i32, i32
  }
  func.func @transform_8(%arg0: i32, %arg1: i32) -> (i32, i32, i32) {
    %c0_i32 = arith.constant 0 : i32
    %c0_i32_0 = arith.constant 0 : i32
    %c0_i32_1 = arith.constant 0 : i32
    return %arg0, %c0_i32, %c0_i32_0 : i32, i32, i32
  }
  func.func @transform_9(%arg0: i32, %arg1: i32) -> (i32, i32, i32) {
    %c0_i32 = arith.constant 0 : i32
    %c0_i32_0 = arith.constant 0 : i32
    %c0_i32_1 = arith.constant 0 : i32
    return %arg0, %c0_i32, %c0_i32_0 : i32, i32, i32
  }
  func.func @transform_10(%arg0: i32, %arg1: i32) -> (i32, i32, i32) {
    %c0_i32 = arith.constant 0 : i32
    %c0_i32_0 = arith.constant 0 : i32
    %c0_i32_1 = arith.constant 0 : i32
    return %arg0, %c0_i32, %c0_i32_0 : i32, i32, i32
  }
  func.func @transform_11(%arg0: i32, %arg1: i32) -> (i32, i32, i32) {
    %c0_i32 = arith.constant 0 : i32
    %c0_i32_0 = arith.constant 0 : i32
    %c0_i32_1 = arith.constant 0 : i32
    return %arg0, %c0_i32, %c0_i32_0 : i32, i32, i32
  }
  func.func @transform_12(%arg0: i32, %arg1: i32) -> (i32, i32, i32) {
    %c0_i32 = arith.constant 0 : i32
    %c0_i32_0 = arith.constant 0 : i32
    return %arg0, %arg1, %c0_i32 : i32, i32, i32
  }
  func.func @transform_13(%arg0: i32, %arg1: i32) -> (i32, i32, i32) {
    %c0_i32 = arith.constant 0 : i32
    %c0_i32_0 = arith.constant 0 : i32
    return %arg0, %arg1, %c0_i32 : i32, i32, i32
  }
}

</mosaic_0001>

<sc_bundles>
// kernel: kernel.4.cloned.1.call-start
scs
__scs_entry_jumppad:
0x0: {  	(pc) =	sbr.rel $0x88, $3  }
0x1: {  	(tag) =	ssettag $0x0;
	lr =	simm.s32 $0x1  }
0x2: {  	[smem:$0x3F93] =	sst lr;
	_ =	strace $0xD0000000  }
0x3: {  	_ = 	snop  }
0x4: {  	_ = 	snop  }
0x5: {  	_ = 	snop  }
0x6: {  	_ = 	snop  }
0x7: {  	_ = 	snop  }
__scs_overlays_trampoline_lowered:
0x8: {  	[smem:$0x3FA2] =	sst s0  }
0x9: {  	[smem:$0x3FA3] =	sst s1  }
0xa: {  	[smem:$0x3FA4] =	sst s2  }
0xb: {  	[smem:$0x3FA5] =	sst s3  }
0xc: {  	[smem:$0x3FA6] =	sst s4  }
0xd: {  	[smem:$0x3FA7] =	sst s5  }
0xe: {  	[smem:$0x3FA8] =	sst s6  }
0xf: {  	[smem:$0x3FA9] =	sst s7  }
0x10: {  	[smem:$0x3FAA] =	sst s8  }
0x11: {  	[smem:$0x3FAB] =	sst s9;
	s0 =	simm.s32 @!p0 $0x0  }
0x12: {  	s1 =	sld [smem:$0x3F91];
	s0 =	simm.s32 @p0 $0x1  }
0x13: {  	[smem:$0x3FAC] =	sst s0;
	s0 =	simm.s32 @!p1 $0x0  }
0x14: {  	s2 =	sld [smem:$0x3F90];
	s0 =	simm.s32 @p1 $0x1  }
0x15: {  	[smem:$0x3FAD] =	sst s0;
	s0 =	simm.s32 @!p2 $0x0  }
0x16: {  	s3 =	sld [smem:$0x3FDB];
	s0 =	simm.s32 @p2 $0x1  }
0x17: {  	s4 =	simm.s32 $0x1BF5;
	[smem:$0x3FAF] =	sst s0  }
0x18: {  	s0 =	sld [smem:$0x3F92];
	_ =	swait.ge [sflag:s4], $0x0  }
0x19: {  	s7 =	sld [smem:$0x3F93]  }
0x1a: {  	s8 =	sadd.s32 $0xFFFFE003, lr  }
0x1b: {  	s9 =	sadd.s32 $0xFFFFFEF7, lr;
	s5 =	simm.s32 $0xFFFFFFFF;
	p2 =	slt.u32 s8, $0xFFFFF086  }
0x1c: {  	p1 =	slt.u32 s9, $0xF7A;
	s5 =	simm.s32 @!p2 $0x0  }
0x1d: {  	s5 =	simm.s32 @p1 $0x1;
	p0 =	seq.s32 s7, s2  }
0x1e: {  	s7 =	smul.u32 @!p0 $0xF7A, s2;
	p2 =	seq.s32 @!p0 s5, $0x0  }
0x1f: {  	s9 =	smul.u32 $0xF7A, s1;
	s8 =	simm.s32 @!p0 $0x1BF5;
	p2 =	por !p2, p0  }
0x20: {  	[sflag:s8] =	ssyncset.s32 @!p0 $0xFFFFF086;
	s6 =	sadd.s32 @!p0 s3, s7;
	s7 =	simm.s32 @!p0 $0x108  }
0x21: {  	s3 =	sadd.s32 s3, s9;
	s6 =	sadd.s32 @!p0 $0x88, s6;
	s7 =	simm.s32 @p2 $0x1082  }
0x22: {  	[simem:s7], [sflag:s8] =	dma.local @!p0 [hbm:s6], $0xF7A  }
0x23: {  	s9 =	sor.u32 $0xD0000000, s2;
	s6 =	simm.s32 $0x108;
	_ =	swait.ge @!p0 [sflag:s8], $0x0  }
0x24: {  	s3 =	sadd.s32 $0x88, s3;
	s6 =	simm.s32 @!p1 $0x1082;
	[sflag:s4] =	ssyncset.s32 $0xFFFFF086  }
0x25: {  	[simem:s6], [sflag:s4] =	dma.local [hbm:s3], $0xF7A  }
0x26: {  	[smem:$0x3F93] =	sst s1;
	(tag) =	ssettag s2;
	_ =	strace s9  }
0x27: {  	s1 =	sld [smem:$0x3FA3]  }
0x28: {  	s2 =	sld [smem:$0x3FA4]  }
0x29: {  	s4 =	sld [smem:$0x3FA6]  }
0x2a: {  	p0 =	seq.s32 s5, $0x0;
	s5 =	sld [smem:$0x3FA7]  }
0x2b: {  	s6 =	sld [smem:$0x3FA8]  }
0x2c: {  	s7 =	sld [smem:$0x3FA9]  }
0x2d: {  	s3 =	simm.s32 $0x108;
	s8 =	sld [smem:$0x3FAA]  }
0x2e: {  	s3 =	simm.s32 @!p0 $0x1082;
	s9 =	sld [smem:$0x3FAB]  }
0x2f: {  	lr =	sadd.s32 s0, s3;
	s0 =	sld [smem:$0x3FA2]  }
0x30: {  	s3 =	sld [smem:$0x3FA5]  }
0x31: {  	[smem:$0x3FAE] =	sst s10  }
0x32: {  	s10 =	sld [smem:$0x3FAC];
	_ =	sdelay $0x3  }
0x33: {  	p0 =	seq.s32 s10, $0x1;
	s10 =	sld [smem:$0x3FAE];
	_ =	sdelay $0x3  }
0x34: {  	[smem:$0x3FAE] =	sst s10  }
0x35: {  	s10 =	sld [smem:$0x3FAD];
	_ =	sdelay $0x3  }
0x36: {  	p1 =	seq.s32 s10, $0x1;
	s10 =	sld [smem:$0x3FAE];
	_ =	sdelay $0x3  }
0x37: {  	[smem:$0x3FAE] =	sst s10  }
0x38: {  	s10 =	sld [smem:$0x3FAF]  }
0x39: {  	_ = 	snop;
	(pc) =	sbr.ind lr, $3  }
0x3a: {  	_ = 	snop  }
0x3b: {  	_ = 	snop  }
0x3c: {  	p2 =	seq.s32 s10, $0x1;
	s10 =	sld [smem:$0x3FAE]  }
0x3d: {  	_ =	shalt  }
0x3e: {  	_ =	shalt  }
0x3f: {  	_ =	shalt  }
0x40: {  	_ =	shalt  }
0x41: {  	_ =	shalt  }
0x42: {  	_ =	shalt  }
0x43: {  	_ =	shalt  }
0x44: {  	_ =	shalt  }
0x45: {  	_ =	shalt  }
0x46: {  	_ =	shalt  }
0x47: {  	_ =	shalt  }
0x48: {  	_ =	shalt  }
0x49: {  	_ =	shalt  }
0x4a: {  	_ =	shalt  }
0x4b: {  	_ =	shalt  }
0x4c: {  	_ =	shalt  }
0x4d: {  	_ =	shalt  }
0x4e: {  	_ =	shalt  }
0x4f: {  	_ =	shalt  }
0x50: {  	_ =	shalt  }
0x51: {  	_ =	shalt  }
0x52: {  	_ =	shalt  }
0x53: {  	_ =	shalt  }
0x54: {  	_ =	shalt  }
0x55: {  	_ =	shalt  }
0x56: {  	_ =	shalt  }
0x57: {  	_ =	shalt  }
0x58: {  	_ =	shalt  }
0x59: {  	_ =	shalt  }
0x5a: {  	_ =	shalt  }
0x5b: {  	_ =	shalt  }
0x5c: {  	_ =	shalt  }
0x5d: {  	_ =	shalt  }
0x5e: {  	_ =	shalt  }
0x5f: {  	_ =	shalt  }
0x60: {  	_ =	shalt  }
0x61: {  	_ =	shalt  }
0x62: {  	_ =	shalt  }
0x63: {  	_ =	shalt  }
0x64: {  	_ =	shalt  }
0x65: {  	_ =	shalt  }
0x66: {  	_ =	shalt  }
0x67: {  	_ =	shalt  }
0x68: {  	_ =	shalt  }
0x69: {  	_ =	shalt  }
0x6a: {  	_ =	shalt  }
0x6b: {  	_ =	shalt  }
0x6c: {  	_ =	shalt  }
0x6d: {  	_ =	shalt  }
0x6e: {  	_ =	shalt  }
0x6f: {  	_ =	shalt  }
0x70: {  	_ =	shalt  }
0x71: {  	_ =	shalt  }
0x72: {  	_ =	shalt  }
0x73: {  	_ =	shalt  }
0x74: {  	_ =	shalt  }
0x75: {  	_ =	shalt  }
0x76: {  	_ =	shalt  }
0x77: {  	_ =	shalt  }
0x78: {  	_ =	shalt  }
0x79: {  	_ =	shalt  }
0x7a: {  	_ =	shalt  }
0x7b: {  	_ =	shalt  }
0x7c: {  	_ =	shalt  }
0x7d: {  	_ =	shalt  }
0x7e: {  	_ =	shalt  }
0x7f: {  	_ =	shalt  }
0x80: {  	_ =	shalt  }
0x81: {  	_ =	shalt  }
0x82: {  	_ =	shalt  }
0x83: {  	_ =	shalt  }
0x84: {  	_ =	shalt  }
0x85: {  	_ =	shalt  }
0x86: {  	_ =	shalt  }
0x87: {  	_ =	shalt  }
.Lfunc_end0:
.L_simem_size_0:
called_computation_lowered:
.L_overlay_start_0:
0x88: {  	s2 =	sld [smem:$0x3FD9]  }
0x89: {  	s3 =	sld [smem:$0x3FFE];
	_ =	sdelay $0x1  }
0x8a: {  	s1 =	srdreg.scid  }
0x8b: {  	s0 =	sand.u32 $0x1, s1  }
0x8c: {  	s14 =	sshll.u32 s0, $0xA;
	s2 =	sadd.s32 s3, s2  }
0x8d: {  	s2 =	sadd.s32 s2, s14  }
0x8e: {  	[smem:$0x3FBA] =	sst s2  }
0x8f: {  	_ = 	snop  }
0x90: {  	s2 =	sld [smem:$0x3FD0];
	_ =	sdelay $0x2  }
0x91: {  	s4 =	simm.s32 $0xA;
	s5 =	simm.s32 $0x10;
	s15 =	sld [smem:$0x3FC9]  }
0x92: {  	[smem:s5], [sflag:s4] =	dma.local [hbm:s2], $0x1  }
0x93: {  	_ =	swait.eq [sflag:s4], $0x1  }
0x94: {  	[sflag:s4] =	ssyncset.done $0x0  }
0x95: {  	[sflag:s4] =	ssyncadd.s32 $0xFFFFFFFF  }
0x96: {  	s16 =	sld [smem:$0x12];
	(tm) =	ssettm $0x1  }
0x97: {  	s17 =	sld [smem:$0x3FFB];
	_ =	sdelay $0x3  }
0x98: {  	_ =	strace s17  }
0x99: {  	s4 =	sld [smem:$0x3FFC];
	_ =	sdelay $0x3  }
0x9a: {  	_ =	strace s4  }
0x9b: {  	s4 =	sld [smem:$0x3FFD];
	_ =	sdelay $0x3  }
0x9c: {  	_ =	strace s4  }
0x9d: {  	_ =	strace $0x8FFFFFFF  }
0x9e: {  	s18 =	sld [smem:$0x3FDB];
	_ =	sdelay $0x1  }
0x9f: {  	s19 =	simm.s32 $_scs_section_size  }
0xa0: {  	s6 =	simm.s32 $_size__tile_overlayer_lowered;
	s7 =	simm.s32 $_tile_overlayer_lowered  }
0xa1: {  	s22 =	simm.s32 $0x1BFF;
	s21 =	sshll.u32 s7, $0x1;
	s4 =	sadd.s32 s19, s18  }
0xa2: {  	s8 =	simm.s32 $0x0;
	s20 =	sshll.u32 s6, $0x1;
	s6 =	sadd.s32 s21, s4  }
0xa3: {  	[timem:s8], [sflag:s22] =	dma.local [hbm:s6], s20  }
0xa4: {  	_ =	swait.ge [sflag:s22], s20  }
0xa5: {  	s5 =	ssub.s32 $0x0, s20;
	[sflag:s22] =	ssyncset.done $0x0  }
0xa6: {  	[sflag:s22] =	ssyncadd.s32 s5;
	_ =	sdelay $0x1  }
0xa7: {  	s23 =	simm.s32 $0x1B8B  }
0xa8: {  	_ =	swait.ge [sflag:s23], $0x1  }
0xa9: {  	[sflag:s23] =	ssyncset.done $0x0  }
0xaa: {  	s25 =	simm.s32 $0x1B8E;
	s24 =	sld [smem:$0x3FFE];
	[sflag:s23] =	ssyncadd.s32 $0xFFFFFFFF  }
0xab: {  	s26 =	simm.s32 $execute0_lowered;
	[smem:$0x3FD2] =	sst s25  }
0xac: {  	s6 =	sshll.u32 s26, $0x1;
	_ =	strace $0x80000046;
	[dreg:$0x1] =	wrdreg $0xFFFFFFFF  }
0xad: {  	s28 =	simm.s32 $_size_execute0_lowered;
	s4 =	sadd.s32 s4, s6;
	[dreg:$0x0] =	wrdreg $0x0  }
0xae: {  	s6 =	sshll.u32 s28, $0x1;
	[dreg:$0x2] =	wrdreg s4  }
0xaf: {  	[dreg:$0x3] =	wrdreg s6  }
0xb0: {  	[dreg:$0x4] =	wrdreg $0xC0  }
0xb1: {  	_ =	task [dreg:s8], $0x5FFFF  }
0xb2: {  	[dreg:$0x1] =	wrdreg $0xFFFFFFFF  }
0xb3: {  	[dreg:$0x0] =	wrdreg $0x60  }
0xb4: {  	[dreg:$0x2] =	wrdreg s15  }
0xb5: {  	[dreg:$0x3] =	wrdreg s16  }
0xb6: {  	[dreg:$0x4] =	wrdreg s24  }
0xb7: {  	[dreg:$0x5] =	wrdreg $0x0  }
0xb8: {  	[dreg:$0x6] =	wrdreg $0x9  }
0xb9: {  	_ =	task.clear_ibuf [dreg:s8], $0x7FFFF;
	_ =	strace $0x90000046  }
0xba: {  	s29 =	simm.s32 $0x9;
	_ =	strace $0x80000048  }
0xbb: {  	_ =	swait.ge [sflag:s29], $0x1  }
0xbc: {  	[sflag:s29] =	ssyncadd.s32 $0xFFFFFFFF  }
0xbd: {  	_ =	strace $0x90000048  }
0xbe: {  	_ =	sfence  }
0xbf: {  	s30 =	sld [smem:$0x0];
	_ =	sdelay $0x2  }
0xc0: {  	s31 =	sshll.u32 s1, $0xD;
	s1 =	sshrl.u32 s1, $0x2  }
0xc1: {  	s3 =	sand.u32 $0x4000, s31;
	s1 =	sadd.s32 s1, s30  }
0xc2: {  	s0 =	sor.u32 s3, s0;
	s1 =	sshll.u32 s1, $0x11  }
0xc3: {  	s0 =	sor.u32 s1, s0  }
0xc4: {  	s0 =	sadd.s32 $0x8F2B, s0  }
0xc5: {  	[sflag:s0] =	ssyncadd.remote.s32 $0x1  }
0xc6: {  	_ =	sfence.sel $0xFFFF  }
0xc7: {  	[dreg:$0x0] =	wrdreg $0xFFFFFFFF;
	(pc) =	sbr.abs _section_cstart, $3  }
0xc8: {  	[dreg:$0x1] =	wrdreg $0xFFFFFFFF  }
0xc9: {  	_ =	task.clear_ibuf [dreg:s8], $0x2FFFF;
	_ =	strace $0x9FFFFFFF  }
0xca: {  	(tm) =	ssettm $0x7FFFFFFF  }
0xcb: {  	_ =	shalt  }
tec
execute0_lowered:
.L_overlay_start_1:
0x0: {  	(tag) =	ssettag $0x1  }
0x1: {  	s0 =	rddreg [dreg:$0x0]  }
0x2: {  	s2 =	rddreg [dreg:$0x1];
	s1 =	srdreg.scid  }
0x3: {  	s3 =	rddreg [dreg:$0x2];
	s5 =	stileid.u32  }
0x4: {  	s4 =	rddreg [dreg:$0x3];
	s15 =	simm.s32 $0x0;
	s28 =	simm.s32 $0x1  }
0x5: {  	s29 =	simm.s32 $0x1D400;
	s30 =	simm.s32 $0x2;
	s7 =	smul.u32 $0x13C00, s5  }
0x6: {  	s31 =	simm.s32 $0x3;
	s12 =	simm.s32 $0x1CF80;
	s8 =	smul.u32 $0x4F000, s5  }
0x7: {  	s1 =	sand.u32 $0x1, s1;
	[smem:$0x7FF] =	sst s15;
	s11 =	smul.u32 $0xA000, s5  }
0x8: {  	s13 =	simm.s32 $0x1C000;
	s6 =	smul.u32 $0x13C000, s1;
	_ =	strace $0x80000047  }
0x9: {  	s10 =	ssub.s32 $0x2, s1;
	s1 =	smul.u32 $0xA0000, s1;
	s14 =	sshrl.u32 s8, $0x2  }
0xa: {  	s16 =	sshrl.u32 s10, $0x1;
	s7 =	sadd.s32 s7, s6;
	s17 =	sadd.s32 s14, s4  }
0xb: {  	s8 =	ssub.s32 s10, s16;
	s18 =	sadd.s32 $0x11800, s17;
	[dreg:$0x6] =	wrdreg s17  }
0xc: {  	s6 =	sadd.s32 $0x1800, s3;
	s20 =	smax.u32 s8, $0x1;
	[dreg:$0x7] =	wrdreg s18  }
0xd: {  	s10 =	simm.s32 $0x1CE80;
	s21 =	sadd.s32 $0x2800, s17;
	[dreg:$0x9] =	wrdreg s20  }
0xe: {  	s14 =	simm.s32 $0x1D000;
	s22 =	sadd.s32 $0x5000, s17;
	[dreg:$0xa] =	wrdreg s21  }
0xf: {  	s9 =	sshrl.u32 s7, $0x3;
	s23 =	sadd.s32 $0x7800, s17;
	[dreg:$0xb] =	wrdreg s22  }
0x10: {  	s24 =	sadd.s32 $0xA000, s17;
	s25 =	sadd.s32 $0xC800, s17;
	[dreg:$0xc] =	wrdreg s23  }
0x11: {  	s26 =	sadd.s32 $0xF000, s17;
	s8 =	simm.s32 $0x6;
	[dreg:$0xd] =	wrdreg s24  }
0x12: {  	s3 =	sadd.s32 s9, s3;
	s9 =	sadd.s32 s11, s1;
	[dreg:$0xe] =	wrdreg s25  }
0x13: {  	[dreg:$0xf] =	wrdreg s26;
	s18 =	simm.s32 $0x13C00;
	s20 =	simm.s32 $0x1B400  }
0x14: {  	s21 =	simm.s32 $0x1C400;
	s22 =	simm.s32 $0x50;
	s23 =	simm.s32 $0x1B480  }
0x15: {  	v0 =	vimm.f32 $0.0e+00;
	v6 =	vlaneseq.u32;
	s24 =	simm.s32 $0x16400;
	s25 =	simm.s32 $0x1B500;
	s26 =	simm.s32 $0x18C00  }
0x16: {  	v1 =	vimm.f32 $1.000000000e+00;
	v2 =	vor.u32 $0x2710, v6;
	v3 =	vor.u32 $0x2720, v6;
	s1 =	simm.s32 $0x5;
	s11 =	simm.s32 $0x1CF00;
	s19 =	sadd.s32 $0x29800, s3  }
0x17: {  	v4 =	vor.u32 $0x2730, v6;
	v5 =	vor.u32 $0x2740, v6;
	v6 =	vor.u32 $0x2750, v6;
	s3 =	simm.s32 $0x4;
	[dreg:$0x8] =	wrdreg s19;
	s19 =	simm.s32 $0x7  }
.LBB2_1:
0x18: {  	[dreg:$0x5] =	wrdreg s15;
	s15 =	simm.s32 $0x0;
	s16 =	simm.s32 $0x200  }
.LBB2_2:
0x19: {  	p0 =	sne.s32 s16, $0x9E00;
	[tilespmem:s15+$0x1D470] =	vst v0  }
0x1a: {  	[tilespmem:s15+$0x13C00] =	vst v0  }
0x1b: {  	[tilespmem:s15+$0x1D400] =	vst v0  }
0x1c: {  	[tilespmem:s15+$0x13C10] =	vst v0  }
0x1d: {  	[tilespmem:s15+$0x1D410] =	vst v0  }
0x1e: {  	[tilespmem:s15+$0x13C20] =	vst v0  }
0x1f: {  	[tilespmem:s15+$0x1D420] =	vst v0  }
0x20: {  	[tilespmem:s15+$0x13C30] =	vst v0  }
0x21: {  	[tilespmem:s15+$0x1D430] =	vst v0  }
0x22: {  	[tilespmem:s15+$0x13C40] =	vst v0  }
0x23: {  	[tilespmem:s15+$0x1D440] =	vst v0  }
.Ltmp0:
0x24: {  	[tilespmem:s15+$0x13C50] =	vst v0;
	(pc) =	sbr.rel @p0 .LBB2_2-.Ltmp0, $4  }
0x25: {  	[tilespmem:s15+$0x1D450] =	vst v0  }
0x26: {  	[tilespmem:s15+$0x13C60] =	vst v0  }
0x27: {  	[tilespmem:s15+$0x1D460] =	vst v0  }
0x28: {  	[tilespmem:s15+$0x13C70] =	vst v0;
	s15 =	sshra.s32 s16, $0x2;
	s16 =	sadd.s32 $0x200, s16  }
0x29: {  	[tilespmem:s15+$0x1D470] =	vst v0  }
0x2a: {  	[tilespmem:s15+$0x13C00] =	vst v0  }
0x2b: {  	[tilespmem:s15+$0x1D400] =	vst v0  }
0x2c: {  	[tilespmem:s15+$0x13C10] =	vst v0  }
0x2d: {  	[tilespmem:s15+$0x1D410] =	vst v0  }
0x2e: {  	[tilespmem:s15+$0x13C20] =	vst v0  }
0x2f: {  	[tilespmem:s15+$0x1D420] =	vst v0  }
0x30: {  	[tilespmem:s15+$0x13C30] =	vst v0  }
0x31: {  	[tilespmem:s15+$0x1D430] =	vst v0  }
0x32: {  	[tilespmem:s15+$0x13C40] =	vst v0  }
0x33: {  	[tilespmem:s15+$0x1D440] =	vst v0  }
0x34: {  	[tilespmem:s15+$0x13C50] =	vst v0  }
0x35: {  	[tilespmem:s15+$0x1D450] =	vst v0  }
0x36: {  	[tilespmem:s15+$0x13C60] =	vst v0  }
0x37: {  	[tilespmem:s15+$0x1D460] =	vst v0  }
0x38: {  	[tilespmem:s15+$0x13C70] =	vst v0  }
0x39: {  	[spmem:s17] =	stream.linear.scatter [tilespmem:s18], [sflag:$0x7], $0x2800, $0x38;
	[tilespmem:$0x1FC00] =	vst v63  }
0x3a: {  	_ =	swait.ge [sflag:s19], $0x2800  }
0x3b: {  	[sflag:s19] =	ssyncset.done $0x0  }
0x3c: {  	s5 =	rddreg [dreg:$0xa];
	[sflag:s19] =	ssyncadd.s32 $0xFFFFD800  }
0x3d: {  	[spmem:s5] =	stream.linear.scatter [tilespmem:s18], [sflag:$0x7], $0x2800, $0x38;
	[tilespmem:$0x1FC00] =	vst v63  }
0x3e: {  	_ =	swait.ge [sflag:s19], $0x2800  }
0x3f: {  	[sflag:s19] =	ssyncset.done $0x0  }
0x40: {  	s16 =	rddreg [dreg:$0xb];
	[sflag:s19] =	ssyncadd.s32 $0xFFFFD800  }
0x41: {  	[spmem:s16] =	stream.linear.scatter [tilespmem:s18], [sflag:$0x7], $0x2800, $0x38;
	[tilespmem:$0x1FC00] =	vst v63  }
0x42: {  	_ =	swait.ge [sflag:s19], $0x2800  }
0x43: {  	[sflag:s19] =	ssyncset.done $0x0  }
0x44: {  	s17 =	rddreg [dreg:$0xc];
	[sflag:s19] =	ssyncadd.s32 $0xFFFFD800  }
0x45: {  	[spmem:s17] =	stream.linear.scatter [tilespmem:s18], [sflag:$0x7], $0x2800, $0x38;
	[tilespmem:$0x1FC00] =	vst v63  }
0x46: {  	_ =	swait.ge [sflag:s19], $0x2800  }
0x47: {  	[sflag:s19] =	ssyncset.done $0x0  }
0x48: {  	s7 =	rddreg [dreg:$0xd];
	[sflag:s19] =	ssyncadd.s32 $0xFFFFD800  }
0x49: {  	[spmem:s7] =	stream.linear.scatter [tilespmem:s18], [sflag:$0x7], $0x2800, $0x38;
	[tilespmem:$0x1FC00] =	vst v63  }
0x4a: {  	_ =	swait.ge [sflag:s19], $0x2800  }
0x4b: {  	[sflag:s19] =	ssyncset.done $0x0  }
0x4c: {  	s15 =	rddreg [dreg:$0xe];
	[sflag:s19] =	ssyncadd.s32 $0xFFFFD800  }
0x4d: {  	[spmem:s15] =	stream.linear.scatter [tilespmem:s18], [sflag:$0x7], $0x2800, $0x38;
	[tilespmem:$0x1FC00] =	vst v63  }
0x4e: {  	_ =	swait.ge [sflag:s19], $0x2800  }
0x4f: {  	[sflag:s19] =	ssyncset.done $0x0  }
0x50: {  	s16 =	rddreg [dreg:$0xf];
	[sflag:s19] =	ssyncadd.s32 $0xFFFFD800  }
0x51: {  	[spmem:s16] =	stream.linear.scatter [tilespmem:s18], [sflag:$0x7], $0x2800, $0x38;
	[tilespmem:$0x1FC00] =	vst v63  }
0x52: {  	_ =	swait.ge [sflag:s19], $0x2800  }
0x53: {  	[sflag:s19] =	ssyncset.done $0x0  }
0x54: {  	s17 =	rddreg [dreg:$0x7];
	[sflag:s19] =	ssyncadd.s32 $0xFFFFD800  }
0x55: {  	[spmem:s17] =	stream.linear.scatter [tilespmem:s18], [sflag:$0x7], $0x2400, $0x38;
	[tilespmem:$0x1FC00] =	vst v63  }
0x56: {  	_ =	swait.ge [sflag:s19], $0x2400  }
0x57: {  	[sflag:s19] =	ssyncset.done $0x0  }
0x58: {  	[sflag:s19] =	ssyncadd.s32 $0xFFFFDC00  }
0x59: {  	s15 =	simm.s32 $0x0;
	s16 =	simm.s32 $0x0;
	[bflag:$0x0] =	sbarrier.arrive $0xFFFF  }
.LBB2_4:
0x5a: {  	s17 =	sshll.u32 s16, $0xC  }
0x5b: {  	s17 =	sadd.s32 s17, s9  }
0x5c: {  	s17 =	sshrl.u32 s17, $0x3  }
0x5d: {  	s7 =	sadd.s32 s2, s17  }
0x5e: {  	[tilespmem:s20], [sflag:$0x7] =	stream.linear.gather [hbm4b:s7+s15], $0xC80, $0x38;
	[tilespmem:$0x1FC00] =	vst v63  }
0x5f: {  	_ =	swait.ge [sflag:s19], $0xC80  }
0x60: {  	[sflag:s19] =	ssyncset.done $0x0  }
0x61: {  	s17 =	sadd.s32 s6, s17;
	[sflag:s19] =	ssyncadd.s32 $0xFFFFF380  }
0x62: {  	[tilespmem:s21], [sflag:$0x7] =	stream.linear.gather [hbm4b:s17+s15], $0xC80, $0x38;
	[tilespmem:$0x1FC00] =	vst v63  }
0x63: {  	_ =	swait.ge [sflag:s19], $0xC80  }
0x64: {  	[sflag:s19] =	ssyncset.done $0x0  }
0x65: {  	[sflag:s19] =	ssyncadd.s32 $0xFFFFF380  }
0x66: {  	[tilespmem:s18], [sflag:$0x1] =	stream.indirect.gather [hbm4b:s0+s22], $0x80, s20, s22, $0xb8;
	[tilespmem:$0x1FC00] =	vst v63  }
0x67: {  	_ = 	snop  }
0x68: {  	[tilespmem:s24], [sflag:$0x2] =	stream.indirect.gather [hbm4b:s0+s22], $0x80, s23, s22, $0xb8;
	[tilespmem:$0x1FC00] =	vst v63  }
0x69: {  	s17 =	simm.s32 $0x0  }
0x6a: {  	[tilespmem:s26], [sflag:$0x3] =	stream.indirect.gather [hbm4b:s0+s22], $0x80, s25, s22, $0xb8;
	[tilespmem:$0x1FC00] =	vst v63  }
.LBB2_5:
0x6b: {  	_ =	swait.ge [sflag:s28], $0x2800  }
0x6c: {  	s7 =	sshra.s32 s17, $0x2;
	[sflag:s28] =	ssyncset.done $0x0  }
0x6d: {  	s5 =	sadd.s32 $0x1C400, s7;
	[sflag:s28] =	ssyncadd.s32 $0xFFFFD800  }
0x6e: {  	[spmem:s4] =	stream.indirect.scatter.add.f32 [tilespmem:s18], [sflag:$0x4], $0x80, s5, s22, $0xb8;
	[tilespmem:$0x1FC00] =	vst v63  }
0x6f: {  	v7 =	vld [tilespmem:s7+$0x1C400];
	_ =	sdelay $0x7  }
0x70: {  	[tilespmem:v7+s29+$0x0] =	vst.idx.add.f32.msk $0xffff, v1  }
0x71: {  	v7 =	vld [tilespmem:s7+$0x1C410];
	_ =	sdelay $0x7  }
0x72: {  	[tilespmem:v7+s29+$0x0] =	vst.idx.add.f32.msk $0xffff, v1  }
0x73: {  	v7 =	vld [tilespmem:s7+$0x1C420];
	_ =	sdelay $0x7  }
0x74: {  	[tilespmem:v7+s29+$0x0] =	vst.idx.add.f32.msk $0xffff, v1  }
0x75: {  	v7 =	vld [tilespmem:s7+$0x1C430];
	_ =	sdelay $0x7  }
0x76: {  	[tilespmem:v7+s29+$0x0] =	vst.idx.add.f32.msk $0xffff, v1  }
0x77: {  	v7 =	vld [tilespmem:s7+$0x1C440];
	_ =	sdelay $0x7  }
0x78: {  	[tilespmem:v7+s29+$0x0] =	vst.idx.add.f32.msk $0xffff, v1  }
0x79: {  	_ =	swait.ge [sflag:s30], $0x2800  }
0x7a: {  	[sflag:s30] =	ssyncset.done $0x0  }
0x7b: {  	s5 =	sadd.s32 $0x1C480, s7;
	[sflag:s30] =	ssyncadd.s32 $0xFFFFD800  }
0x7c: {  	[spmem:s4] =	stream.indirect.scatter.add.f32 [tilespmem:s24], [sflag:$0x5], $0x80, s5, s22, $0xb8;
	[tilespmem:$0x1FC00] =	vst v63  }
0x7d: {  	v7 =	vld [tilespmem:s7+$0x1C480];
	_ =	sdelay $0x7  }
0x7e: {  	[tilespmem:v7+s29+$0x0] =	vst.idx.add.f32.msk $0xffff, v1  }
0x7f: {  	v7 =	vld [tilespmem:s7+$0x1C490];
	_ =	sdelay $0x7  }
0x80: {  	[tilespmem:v7+s29+$0x0] =	vst.idx.add.f32.msk $0xffff, v1  }
0x81: {  	v7 =	vld [tilespmem:s7+$0x1C4A0];
	_ =	sdelay $0x7  }
0x82: {  	[tilespmem:v7+s29+$0x0] =	vst.idx.add.f32.msk $0xffff, v1  }
0x83: {  	v7 =	vld [tilespmem:s7+$0x1C4B0];
	_ =	sdelay $0x7  }
0x84: {  	[tilespmem:v7+s29+$0x0] =	vst.idx.add.f32.msk $0xffff, v1  }
0x85: {  	v7 =	vld [tilespmem:s7+$0x1C4C0];
	_ =	sdelay $0x7  }
0x86: {  	[tilespmem:v7+s29+$0x0] =	vst.idx.add.f32.msk $0xffff, v1  }
0x87: {  	_ =	swait.ge [sflag:s31], $0x2800  }
0x88: {  	[sflag:s31] =	ssyncset.done $0x0  }
0x89: {  	s5 =	sadd.s32 $0x1C500, s7;
	[sflag:s31] =	ssyncadd.s32 $0xFFFFD800  }
0x8a: {  	[spmem:s4] =	stream.indirect.scatter.add.f32 [tilespmem:s26], [sflag:$0x6], $0x80, s5, s22, $0xb8;
	[tilespmem:$0x1FC00] =	vst v63  }
0x8b: {  	v7 =	vld [tilespmem:s7+$0x1C500];
	_ =	sdelay $0x7  }
0x8c: {  	[tilespmem:v7+s29+$0x0] =	vst.idx.add.f32.msk $0xffff, v1  }
0x8d: {  	v7 =	vld [tilespmem:s7+$0x1C510];
	_ =	sdelay $0x7  }
0x8e: {  	[tilespmem:v7+s29+$0x0] =	vst.idx.add.f32.msk $0xffff, v1  }
0x8f: {  	v7 =	vld [tilespmem:s7+$0x1C520];
	_ =	sdelay $0x7  }
0x90: {  	[tilespmem:v7+s29+$0x0] =	vst.idx.add.f32.msk $0xffff, v1  }
0x91: {  	v7 =	vld [tilespmem:s7+$0x1C530];
	_ =	sdelay $0x7  }
0x92: {  	[tilespmem:v7+s29+$0x0] =	vst.idx.add.f32.msk $0xffff, v1  }
0x93: {  	v7 =	vld [tilespmem:s7+$0x1C540];
	_ =	sdelay $0x7  }
0x94: {  	[tilespmem:v7+s29+$0x0] =	vst.idx.add.f32.msk $0xffff, v1  }
0x95: {  	_ =	swait.ge [sflag:s3], $0x2800  }
0x96: {  	[sflag:s3] =	ssyncset.done $0x0  }
0x97: {  	s5 =	sadd.s32 $0x1B580, s7;
	[sflag:s3] =	ssyncadd.s32 $0xFFFFD800  }
0x98: {  	[tilespmem:s18], [sflag:$0x1] =	stream.indirect.gather [hbm4b:s0+s22], $0x80, s5, s22, $0xb8;
	[tilespmem:$0x1FC00] =	vst v63  }
0x99: {  	_ =	swait.ge [sflag:s1], $0x2800  }
0x9a: {  	[sflag:s1] =	ssyncset.done $0x0  }
0x9b: {  	p0 =	sne.s32 s17, $0x2400;
	s5 =	sadd.s32 $0x1B600, s7;
	[sflag:s1] =	ssyncadd.s32 $0xFFFFD800  }
0x9c: {  	[tilespmem:s24], [sflag:$0x2] =	stream.indirect.gather [hbm4b:s0+s22], $0x80, s5, s22, $0xb8;
	[tilespmem:$0x1FC00] =	vst v63  }
.Ltmp1:
0x9d: {  	_ = 	snop;
	(pc) =	sbr.rel @p0 .LBB2_5-.Ltmp1, $4  }
0x9e: {  	_ =	swait.ge [sflag:s8], $0x2800  }
0x9f: {  	[sflag:s8] =	ssyncset.done $0x0  }
0xa0: {  	s17 =	sadd.s32 $0x600, s17;
	s7 =	sadd.s32 $0x1B680, s7;
	[sflag:s8] =	ssyncadd.s32 $0xFFFFD800  }
0xa1: {  	[tilespmem:s26], [sflag:$0x3] =	stream.indirect.gather [hbm4b:s0+s22], $0x80, s7, s22, $0xb8;
	[tilespmem:$0x1FC00] =	vst v63  }
0xa2: {  	_ =	swait.ge [sflag:s28], $0x2800  }
0xa3: {  	[sflag:s28] =	ssyncset.done $0x0  }
0xa4: {  	[sflag:s28] =	ssyncadd.s32 $0xFFFFD800  }
0xa5: {  	[spmem:s4] =	stream.indirect.scatter.add.f32 [tilespmem:s18], [sflag:$0x4], $0x80, s10, s22, $0xb8;
	[tilespmem:$0x1FC00] =	vst v63  }
0xa6: {  	v7 =	vld [tilespmem:$0x1CE80];
	_ =	sdelay $0x7  }
0xa7: {  	[tilespmem:v7+s29+$0x0] =	vst.idx.add.f32.msk $0xffff, v1  }
0xa8: {  	v7 =	vld [tilespmem:$0x1CE90];
	_ =	sdelay $0x7  }
0xa9: {  	[tilespmem:v7+s29+$0x0] =	vst.idx.add.f32.msk $0xffff, v1  }
0xaa: {  	v7 =	vld [tilespmem:$0x1CEA0];
	_ =	sdelay $0x7  }
0xab: {  	[tilespmem:v7+s29+$0x0] =	vst.idx.add.f32.msk $0xffff, v1  }
0xac: {  	v7 =	vld [tilespmem:$0x1CEB0];
	_ =	sdelay $0x7  }
0xad: {  	[tilespmem:v7+s29+$0x0] =	vst.idx.add.f32.msk $0xffff, v1  }
0xae: {  	v7 =	vld [tilespmem:$0x1CEC0];
	_ =	sdelay $0x7  }
0xaf: {  	[tilespmem:v7+s29+$0x0] =	vst.idx.add.f32.msk $0xffff, v1  }
0xb0: {  	_ =	swait.ge [sflag:s30], $0x2800  }
0xb1: {  	[sflag:s30] =	ssyncset.done $0x0  }
0xb2: {  	[sflag:s30] =	ssyncadd.s32 $0xFFFFD800  }
0xb3: {  	[spmem:s4] =	stream.indirect.scatter.add.f32 [tilespmem:s24], [sflag:$0x5], $0x80, s11, s22, $0xb8;
	[tilespmem:$0x1FC00] =	vst v63  }
0xb4: {  	v7 =	vld [tilespmem:$0x1CF00];
	_ =	sdelay $0x7  }
0xb5: {  	[tilespmem:v7+s29+$0x0] =	vst.idx.add.f32.msk $0xffff, v1  }
0xb6: {  	v7 =	vld [tilespmem:$0x1CF10];
	_ =	sdelay $0x7  }
0xb7: {  	[tilespmem:v7+s29+$0x0] =	vst.idx.add.f32.msk $0xffff, v1  }
0xb8: {  	v7 =	vld [tilespmem:$0x1CF20];
	_ =	sdelay $0x7  }
0xb9: {  	[tilespmem:v7+s29+$0x0] =	vst.idx.add.f32.msk $0xffff, v1  }
0xba: {  	v7 =	vld [tilespmem:$0x1CF30];
	_ =	sdelay $0x7  }
0xbb: {  	[tilespmem:v7+s29+$0x0] =	vst.idx.add.f32.msk $0xffff, v1  }
0xbc: {  	v7 =	vld [tilespmem:$0x1CF40];
	_ =	sdelay $0x7  }
0xbd: {  	[tilespmem:v7+s29+$0x0] =	vst.idx.add.f32.msk $0xffff, v1  }
0xbe: {  	_ =	swait.ge [sflag:s31], $0x2800  }
0xbf: {  	[sflag:s31] =	ssyncset.done $0x0  }
0xc0: {  	[sflag:s31] =	ssyncadd.s32 $0xFFFFD800  }
0xc1: {  	[spmem:s4] =	stream.indirect.scatter.add.f32 [tilespmem:s26], [sflag:$0x6], $0x80, s12, s22, $0xb8;
	[tilespmem:$0x1FC00] =	vst v63  }
0xc2: {  	v7 =	vld [tilespmem:$0x1CF80];
	_ =	sdelay $0x7  }
0xc3: {  	[tilespmem:v7+s29+$0x0] =	vst.idx.add.f32.msk $0xffff, v1  }
0xc4: {  	v7 =	vld [tilespmem:$0x1CF90];
	_ =	sdelay $0x7  }
0xc5: {  	[tilespmem:v7+s29+$0x0] =	vst.idx.add.f32.msk $0xffff, v1  }
0xc6: {  	v7 =	vld [tilespmem:$0x1CFA0];
	_ =	sdelay $0x7  }
0xc7: {  	[tilespmem:v7+s29+$0x0] =	vst.idx.add.f32.msk $0xffff, v1  }
0xc8: {  	v7 =	vld [tilespmem:$0x1CFB0];
	_ =	sdelay $0x7  }
0xc9: {  	[tilespmem:v7+s29+$0x0] =	vst.idx.add.f32.msk $0xffff, v1  }
0xca: {  	v7 =	vld [tilespmem:$0x1CFC0];
	_ =	sdelay $0x7  }
0xcb: {  	[tilespmem:v7+s29+$0x0] =	vst.idx.add.f32.msk $0xffff, v1  }
0xcc: {  	_ =	swait.ge [sflag:s3], $0x2800  }
0xcd: {  	[sflag:s3] =	ssyncset.done $0x0  }
0xce: {  	[sflag:s3] =	ssyncadd.s32 $0xFFFFD800  }
0xcf: {  	[tilespmem:s18], [sflag:$0x1] =	stream.indirect.gather [hbm4b:s0+s22], $0x80, s13, s22, $0xb8;
	[tilespmem:$0x1FC00] =	vst v63  }
0xd0: {  	_ =	swait.ge [sflag:s28], $0x2800  }
0xd1: {  	[sflag:s28] =	ssyncset.done $0x0  }
0xd2: {  	[sflag:s28] =	ssyncadd.s32 $0xFFFFD800  }
0xd3: {  	[spmem:s4] =	stream.indirect.scatter.add.f32 [tilespmem:s18], [sflag:$0x4], $0x80, s14, s22, $0xb8;
	[tilespmem:$0x1FC00] =	vst v63  }
0xd4: {  	v7 =	vld [tilespmem:$0x1D000];
	_ =	sdelay $0x7  }
0xd5: {  	[tilespmem:v7+s29+$0x0] =	vst.idx.add.f32.msk $0xffff, v1  }
0xd6: {  	v7 =	vld [tilespmem:$0x1D010];
	_ =	sdelay $0x7  }
0xd7: {  	[tilespmem:v7+s29+$0x0] =	vst.idx.add.f32.msk $0xffff, v1  }
0xd8: {  	v7 =	vld [tilespmem:$0x1D020];
	_ =	sdelay $0x7  }
0xd9: {  	[tilespmem:v7+s29+$0x0] =	vst.idx.add.f32.msk $0xffff, v1  }
0xda: {  	v7 =	vld [tilespmem:$0x1D030];
	_ =	sdelay $0x7  }
0xdb: {  	[tilespmem:v7+s29+$0x0] =	vst.idx.add.f32.msk $0xffff, v1  }
0xdc: {  	v7 =	vld [tilespmem:$0x1D040];
	_ =	sdelay $0x7  }
0xdd: {  	[tilespmem:v7+s29+$0x0] =	vst.idx.add.f32.msk $0xffff, v1  }
0xde: {  	_ =	swait.ge [sflag:s1], $0x2800  }
0xdf: {  	[sflag:s1] =	ssyncset.done $0x0  }
0xe0: {  	s16 =	sadd.s32 $0x1, s16;
	[sflag:s1] =	ssyncadd.s32 $0xFFFFD800  }
0xe1: {  	p0 =	sne.s32 s16, $0xA;
	_ =	swait.ge [sflag:s8], $0x2800  }
.Ltmp2:
0xe2: {  	[sflag:s8] =	ssyncset.done $0x0;
	(pc) =	sbr.rel @p0 .LBB2_4-.Ltmp2, $4  }
0xe3: {  	[sflag:s8] =	ssyncadd.s32 $0xFFFFD800  }
0xe4: {  	_ =	swait.ge [sflag:s3], $0x2800  }
0xe5: {  	[sflag:s3] =	ssyncset.done $0x0  }
0xe6: {  	[sflag:s3] =	ssyncadd.s32 $0xFFFFD800  }
0xe7: {  	[tilespmem:$0x1C400] =	vst v2  }
0xe8: {  	[tilespmem:$0x1C410] =	vst v3  }
0xe9: {  	[tilespmem:$0x1C420] =	vst v4  }
0xea: {  	[tilespmem:$0x1C430] =	vst v5  }
0xeb: {  	[tilespmem:$0x1C440] =	vst v6  }
0xec: {  	[spmem:s4] =	stream.indirect.scatter.add.f32 [tilespmem:s29], [sflag:$0x7], $0x80, s21, s22, $0xb8;
	[tilespmem:$0x1FC00] =	vst v63  }
0xed: {  	_ =	swait.ge [sflag:s19], $0x2800  }
0xee: {  	[sflag:s19] =	ssyncset.done $0x0  }
0xef: {  	[sflag:s19] =	ssyncadd.s32 $0xFFFFD800  }
0xf0: {  	s5 =	stileid.u32;
	[bflag:$0x0] =	sbarrier.arrive $0xFFFF  }
0xf1: {  	s5 =	sshll.u32 s5, $0x6;
	s17 =	rddreg [dreg:$0x6]  }
0xf2: {  	s5 =	sor.u32 $0x1C07, s5;
	s15 =	rddreg [dreg:$0x8];
	s7 =	sshrl.u32 s17, $0x3  }
0xf3: {  	[hbm:s15], [sflag:s5] =	dma.local [spmem:s7], $0x2780  }
0xf4: {  	_ =	swait.ge [sflag:s19], $0x2780  }
0xf5: {  	s7 =	rddreg [dreg:$0x5]  }
0xf6: {  	s16 =	rddreg [dreg:$0x9];
	s15 =	sadd.s32 $0x1, s7  }
0xf7: {  	p0 =	sne.s32 s15, s16  }
.Ltmp3:
0xf8: {  	_ = 	snop;
	(pc) =	sbr.rel @p0 .LBB2_1-.Ltmp3, $3  }
0xf9: {  	_ =	sdelay $0x1  }
0xfa: {  	[sflag:s19] =	ssyncset.done $0x0  }
0xfb: {  	[sflag:s19] =	ssyncadd.s32 $0xFFFFD880  }
0xfc: {  	_ =	sfence.sel $0x180000  }
0xfd: {  	[bflag:$0x0] =	sbarrier.arrive $0xFFFF  }
0xfe: {  	_ =	strace $0x90000047  }
0xff: {  	s0 =	stileid.u32;
	[bflag:$0x2] =	sbarrier.arrive $0xFFFF  }
0x100: {  	p0 =	sne.s32 s0, $0x0;
	s0 =	rddreg [dreg:$0x4]  }
0x101: {  	s0 =	sadd.s32 @!p0 $0x100000, s0  }
0x102: {  	[sflag:s0] =	ssyncadd.tile.s32 @!p0 $0x1;
	_ =	shalt  }
.Lfunc_end2:
_tile_overlayer_lowered:
.L_overlay_start_2:
0x103: {  	(tag) =	ssettag $0x2  }
0x104: {  	s0 =	rddreg [dreg:$0x0];
	s2 =	stileid.u32  }
0x105: {  	s1 =	rddreg [dreg:$0x1];
	p0 =	sne.s32 s2, $0x0  }
0x106: {  	s3 =	rddreg [dreg:$0x2];
	[bflag:$0x3] =	sbarrier.arrive $0xFFFF;
	s2 =	simm.s32 @!p0 $0x1C07  }
0x107: {  	[timem:s3], [sflag:s2] =	dma.local @!p0 [hbm:s0], s1  }
0x108: {  	s0 =	simm.s32 @!p0 $0x7  }
0x109: {  	_ =	swait.ge @!p0 [sflag:s0], s1  }
0x10a: {  	s1 =	ssub.s32 @!p0 $0x0, s1;
	[sflag:s0] =	ssyncset.done @!p0 $0x0  }
0x10b: {  	[sflag:s0] =	ssyncadd.s32 @!p0 s1  }
0x10c: {  	[bflag:$0x3] =	sbarrier.arrive $0xFFFF  }
0x10d: {  	_ =	shalt  }

</sc_bundles>
